<compile_context>
chip_gen: v7x
topology: tpu7x:2x2x1
jax: 0.10.2.dev20260603
libtpu: 0.0.44.dev20260713+nightly
codegen_flags: <defaults>
</compile_context>

<pallas_src>
import functools

import jax
import jax.numpy as jnp
from jax import lax
from jax.experimental import pallas as pl
from jax.experimental.pallas import tpu as pltpu
from jax.experimental.pallas import tpu_sc as plsc

_B = 16384
_D = 4096
_NW = 32
_BPW = _B // _NW
_CH = 8
_NCHUNK = _BPW // _CH
_NBUF = 3


def _embed_kernel(x_hbm, table_hbm, out_hbm,
                  idx_v, rows0, rows1, rows2, gs0, gs1, gs2, os0, os1, os2):
    nc = 2
    wid = lax.axis_index("s") * nc + lax.axis_index("c")
    base = wid * _BPW
    pltpu.sync_copy(x_hbm.at[pl.ds(base, _BPW)], idx_v)

    bufs = (rows0, rows1, rows2)
    gsem = (gs0, gs1, gs2)
    osem = (os0, os1, os2)

    def gstart(c, b):
        pltpu.make_async_copy(
            table_hbm.at[idx_v.at[pl.ds(c * _CH, _CH)]], bufs[b], gsem[b]
        ).start()

    def gwait(b):
        pltpu.make_async_copy(
            table_hbm.at[idx_v.at[pl.ds(0, _CH)]], bufs[b], gsem[b]
        ).wait()

    def ostart(c, b):
        pltpu.make_async_copy(
            bufs[b], out_hbm.at[pl.ds(base + c * _CH, _CH)], osem[b]
        ).start()

    def owait(b):
        pltpu.make_async_copy(
            bufs[b], out_hbm.at[pl.ds(base, _CH)], osem[b]
        ).wait()

    gstart(0, 0)
    gstart(1, 1)
    gwait(0)
    gstart(2, 2)
    ostart(0, 0)
    gwait(1)
    owait(0)
    gstart(3, 0)
    ostart(1, 1)

    def body(r, _):
        for j in range(3):
            c = 2 + 3 * r + j
            s = (2 + j) % 3
            s2 = (1 + j) % 3
            gwait(s)
            owait(s2)
            gstart(c + 2, s2)
            ostart(c, s)
        return ()

    lax.fori_loop(0, (_NCHUNK - 4) // 3, body, ())

    gwait(2)
    owait(1)
    ostart(_NCHUNK - 2, 2)
    gwait(0)
    ostart(_NCHUNK - 1, 0)
    owait(2)
    owait(0)


@jax.jit
def _embed(x_flat, weights):
    mesh = plsc.VectorSubcoreMesh(core_axis_name="c", subcore_axis_name="s")
    run = functools.partial(
        pl.kernel,
        mesh=mesh,
        out_type=jax.ShapeDtypeStruct((_B, _D), jnp.float32),
        scratch_types=[
            pltpu.VMEM((_BPW,), jnp.int32),
            pltpu.VMEM((_CH, _D), jnp.float32),
            pltpu.VMEM((_CH, _D), jnp.float32),
            pltpu.VMEM((_CH, _D), jnp.float32),
            pltpu.SemaphoreType.DMA,
            pltpu.SemaphoreType.DMA,
            pltpu.SemaphoreType.DMA,
            pltpu.SemaphoreType.DMA,
            pltpu.SemaphoreType.DMA,
            pltpu.SemaphoreType.DMA,
        ],
    )(_embed_kernel)
    return run(x_flat, weights)


def kernel(x, weights):
    out = _embed(x.reshape(-1), weights)
    return out.reshape(x.shape + (weights.shape[1],))

# --- scband reference (transcript-rebuilt; emitter-appended) ---
"""Pipeline reference for scband-tt-mistral-embedding-36240934044034 (READ-ONLY COPY).

The authoritative reference and input builder live on the scoring server;
editing this copy changes nothing except your own understanding.
"""

import jax, jax.numpy as jnp
import numpy as np


def setup_inputs(seed: int = 0) -> dict:
    key = jax.random.key(seed)
    k_idx, k_w = jax.random.split(key)
    x = jax.random.randint(k_idx, (4, 4096), 0, 32000, dtype=jnp.int32)
    weights = jax.random.normal(k_w, (32000, 4096), dtype=jnp.float32) * 0.02
    return {"x": x, "weights": weights}


def reference(x, weights):
    # ttnn.embedding(x, weights): row gather from the embedding table
    return jnp.take(weights, x, axis=0)

if __name__ == "__main__":
    import jax
    _d = setup_inputs()
    print(jax.jit(kernel)(*tuple(_d.values())))

</pallas_src>

<mosaic_0001>
#map = affine_map<(d0, d1) -> (0)>
#map1 = affine_map<(d0, d1) -> (0, 0)>
module attributes {stable_mosaic.version = 14 : i64} {
  func.func @_embed_kernel(%arg0: i32, %arg1: i32, %arg2: memref<16384xi32, #tpu.memory_space<hbm>>, %arg3: memref<32000x4096xf32, #tpu.memory_space<hbm>>, %arg4: memref<16384x4096xf32, #tpu.memory_space<hbm>>, %arg5: memref<512xi32, #tpu.memory_space<vmem>>, %arg6: memref<8x4096xf32, #tpu.memory_space<vmem>>, %arg7: memref<8x4096xf32, #tpu.memory_space<vmem>>, %arg8: memref<8x4096xf32, #tpu.memory_space<vmem>>, %arg9: memref<!tpu.dma_semaphore, #tpu.memory_space<semaphore_mem>>, %arg10: memref<!tpu.dma_semaphore, #tpu.memory_space<semaphore_mem>>, %arg11: memref<!tpu.dma_semaphore, #tpu.memory_space<semaphore_mem>>, %arg12: memref<!tpu.dma_semaphore, #tpu.memory_space<semaphore_mem>>, %arg13: memref<!tpu.dma_semaphore, #tpu.memory_space<semaphore_mem>>, %arg14: memref<!tpu.dma_semaphore, #tpu.memory_space<semaphore_mem>>) attributes {dimension_semantics = [#tpu.dimension_semantics<core_parallel>, #tpu.dimension_semantics<subcore_parallel>], iteration_bounds = array<i64: 2, 16>, scalar_prefetch = 0 : i64, scratch_operands = 10 : i64, tpu.core_type = #tpu.core_type<sc_vector_subcore>, window_params = [{transform_indices = #map}, {transform_indices = #map1}, {transform_indices = #map1}]} {
    %mul3A = arith.constant 2 : i32
    %mul3A_0 = arith.muli %arg1, %mul3A : i32
    %add3A = arith.addi %mul3A_0, %arg0 : i32
    %mul3A_1 = arith.constant 512 : i32
    %mul3A_2 = arith.muli %add3A, %mul3A_1 : i32
    "tpu.region"() ({
      %run_scoped3A = tpu.sem_alloc : memref<!tpu.dma_semaphore, #tpu.memory_space<semaphore_mem>>
      %dma_start3A_85 = tpu.memref_slice %arg2[%mul3A_2] : memref<16384xi32, #tpu.memory_space<hbm>> -> memref<512xi32, #tpu.memory_space<hbm>>
      %dma_start3A_86 = tpu.memref_slice %arg2[%mul3A_2] : memref<16384xi32, #tpu.memory_space<hbm>> -> memref<512xi32, #tpu.memory_space<hbm>>
      tpu.enqueue_dma source(%dma_start3A_86 : memref<512xi32, #tpu.memory_space<hbm>>) target(%arg5 : memref<512xi32, #tpu.memory_space<vmem>>) target_semaphore(%run_scoped3A : memref<!tpu.dma_semaphore, #tpu.memory_space<semaphore_mem>>)
      %dma_wait3A_87 = tpu.memref_slice %arg2[%mul3A_2] : memref<16384xi32, #tpu.memory_space<hbm>> -> memref<512xi32, #tpu.memory_space<hbm>>
      %dma_wait3A_88 = tpu.memref_slice %arg2[%mul3A_2] : memref<16384xi32, #tpu.memory_space<hbm>> -> memref<512xi32, #tpu.memory_space<hbm>>
      tpu.wait_dma2 semaphore(%run_scoped3A : memref<!tpu.dma_semaphore, #tpu.memory_space<semaphore_mem>>) src(%dma_wait3A_88 : memref<512xi32, #tpu.memory_space<hbm>>) dst(%arg5 : memref<512xi32, #tpu.memory_space<vmem>>)
      tpu.yield
    }) : () -> ()
    %dma_start3A = arith.constant 0 : i32
    %dma_start3A_3 = tpu.memref_slice %arg5[%dma_start3A] : memref<512xi32, #tpu.memory_space<vmem>> -> memref<8xi32, #tpu.memory_space<vmem>>
    %dma_start3A_4 = arith.constant 0 : i32
    %dma_start3A_5 = arith.constant 0 : i32
    %dma_start3A_6 = tpu.memref_slice %arg3[%dma_start3A_4, %dma_start3A_5] : memref<32000x4096xf32, #tpu.memory_space<hbm>> -> memref<32000x4096xf32, #tpu.memory_space<hbm>>
    tpu.enqueue_indirect_dma source(%dma_start3A_6 : memref<32000x4096xf32, #tpu.memory_space<hbm>>) target(%arg6 : memref<8x4096xf32, #tpu.memory_space<vmem>>) offsets(%dma_start3A_3 : memref<8xi32, #tpu.memory_space<vmem>>) semaphore(%arg9 : memref<!tpu.dma_semaphore, #tpu.memory_space<semaphore_mem>>)
    %dma_start3A_7 = arith.constant 8 : i32
    %dma_start3A_8 = tpu.memref_slice %arg5[%dma_start3A_7] : memref<512xi32, #tpu.memory_space<vmem>> -> memref<8xi32, #tpu.memory_space<vmem>>
    %dma_start3A_9 = arith.constant 0 : i32
    %dma_start3A_10 = arith.constant 0 : i32
    %dma_start3A_11 = tpu.memref_slice %arg3[%dma_start3A_9, %dma_start3A_10] : memref<32000x4096xf32, #tpu.memory_space<hbm>> -> memref<32000x4096xf32, #tpu.memory_space<hbm>>
    tpu.enqueue_indirect_dma source(%dma_start3A_11 : memref<32000x4096xf32, #tpu.memory_space<hbm>>) target(%arg7 : memref<8x4096xf32, #tpu.memory_space<vmem>>) offsets(%dma_start3A_8 : memref<8xi32, #tpu.memory_space<vmem>>) semaphore(%arg10 : memref<!tpu.dma_semaphore, #tpu.memory_space<semaphore_mem>>)
    %dma_wait3A = arith.constant 0 : i32
    %dma_wait3A_12 = tpu.memref_slice %arg5[%dma_wait3A] : memref<512xi32, #tpu.memory_space<vmem>> -> memref<8xi32, #tpu.memory_space<vmem>>
    %dma_wait3A_13 = arith.constant 0 : i32
    %dma_wait3A_14 = arith.constant 0 : i32
    %dma_wait3A_15 = tpu.memref_slice %arg3[%dma_wait3A_13, %dma_wait3A_14] : memref<32000x4096xf32, #tpu.memory_space<hbm>> -> memref<32000x4096xf32, #tpu.memory_space<hbm>>
    tpu.wait_indirect_dma semaphore(%arg9 : memref<!tpu.dma_semaphore, #tpu.memory_space<semaphore_mem>>) src(%dma_wait3A_15 : memref<32000x4096xf32, #tpu.memory_space<hbm>>) dst(%arg6 : memref<8x4096xf32, #tpu.memory_space<vmem>>)
    %dma_start3A_16 = arith.constant 16 : i32
    %dma_start3A_17 = tpu.memref_slice %arg5[%dma_start3A_16] : memref<512xi32, #tpu.memory_space<vmem>> -> memref<8xi32, #tpu.memory_space<vmem>>
    %dma_start3A_18 = arith.constant 0 : i32
    %dma_start3A_19 = arith.constant 0 : i32
    %dma_start3A_20 = tpu.memref_slice %arg3[%dma_start3A_18, %dma_start3A_19] : memref<32000x4096xf32, #tpu.memory_space<hbm>> -> memref<32000x4096xf32, #tpu.memory_space<hbm>>
    tpu.enqueue_indirect_dma source(%dma_start3A_20 : memref<32000x4096xf32, #tpu.memory_space<hbm>>) target(%arg8 : memref<8x4096xf32, #tpu.memory_space<vmem>>) offsets(%dma_start3A_17 : memref<8xi32, #tpu.memory_space<vmem>>) semaphore(%arg11 : memref<!tpu.dma_semaphore, #tpu.memory_space<semaphore_mem>>)
    %add3A_21 = arith.constant 0 : i32
    %add3A_22 = arith.addi %mul3A_2, %add3A_21 : i32
    %dma_start3A_23 = arith.constant 0 : i32
    %dma_start3A_24 = tpu.memref_slice %arg4[%add3A_22, %dma_start3A_23] : memref<16384x4096xf32, #tpu.memory_space<hbm>> -> memref<8x4096xf32, #tpu.memory_space<hbm>>
    %dma_start3A_25 = arith.constant 0 : i32
    %dma_start3A_26 = tpu.memref_slice %arg4[%add3A_22, %dma_start3A_25] : memref<16384x4096xf32, #tpu.memory_space<hbm>> -> memref<8x4096xf32, #tpu.memory_space<hbm>>
    tpu.enqueue_dma source(%arg6 : memref<8x4096xf32, #tpu.memory_space<vmem>>) target(%dma_start3A_26 : memref<8x4096xf32, #tpu.memory_space<hbm>>) target_semaphore(%arg12 : memref<!tpu.dma_semaphore, #tpu.memory_space<semaphore_mem>>)
    %dma_wait3A_27 = arith.constant 0 : i32
    %dma_wait3A_28 = tpu.memref_slice %arg5[%dma_wait3A_27] : memref<512xi32, #tpu.memory_space<vmem>> -> memref<8xi32, #tpu.memory_space<vmem>>
    %dma_wait3A_29 = arith.constant 0 : i32
    %dma_wait3A_30 = arith.constant 0 : i32
    %dma_wait3A_31 = tpu.memref_slice %arg3[%dma_wait3A_29, %dma_wait3A_30] : memref<32000x4096xf32, #tpu.memory_space<hbm>> -> memref<32000x4096xf32, #tpu.memory_space<hbm>>
    tpu.wait_indirect_dma semaphore(%arg10 : memref<!tpu.dma_semaphore, #tpu.memory_space<semaphore_mem>>) src(%dma_wait3A_31 : memref<32000x4096xf32, #tpu.memory_space<hbm>>) dst(%arg7 : memref<8x4096xf32, #tpu.memory_space<vmem>>)
    %dma_wait3A_32 = arith.constant 0 : i32
    %dma_wait3A_33 = tpu.memref_slice %arg4[%mul3A_2, %dma_wait3A_32] : memref<16384x4096xf32, #tpu.memory_space<hbm>> -> memref<8x4096xf32, #tpu.memory_space<hbm>>
    %dma_wait3A_34 = arith.constant 0 : i32
    %dma_wait3A_35 = tpu.memref_slice %arg4[%mul3A_2, %dma_wait3A_34] : memref<16384x4096xf32, #tpu.memory_space<hbm>> -> memref<8x4096xf32, #tpu.memory_space<hbm>>
    tpu.wait_dma2 semaphore(%arg12 : memref<!tpu.dma_semaphore, #tpu.memory_space<semaphore_mem>>) src(%arg6 : memref<8x4096xf32, #tpu.memory_space<vmem>>) dst(%dma_wait3A_35 : memref<8x4096xf32, #tpu.memory_space<hbm>>)
    %dma_start3A_36 = arith.constant 24 : i32
    %dma_start3A_37 = tpu.memref_slice %arg5[%dma_start3A_36] : memref<512xi32, #tpu.memory_space<vmem>> -> memref<8xi32, #tpu.memory_space<vmem>>
    %dma_start3A_38 = arith.constant 0 : i32
    %dma_start3A_39 = arith.constant 0 : i32
    %dma_start3A_40 = tpu.memref_slice %arg3[%dma_start3A_38, %dma_start3A_39] : memref<32000x4096xf32, #tpu.memory_space<hbm>> -> memref<32000x4096xf32, #tpu.memory_space<hbm>>
    tpu.enqueue_indirect_dma source(%dma_start3A_40 : memref<32000x4096xf32, #tpu.memory_space<hbm>>) target(%arg6 : memref<8x4096xf32, #tpu.memory_space<vmem>>) offsets(%dma_start3A_37 : memref<8xi32, #tpu.memory_space<vmem>>) semaphore(%arg9 : memref<!tpu.dma_semaphore, #tpu.memory_space<semaphore_mem>>)
    %add3A_41 = arith.constant 8 : i32
    %add3A_42 = arith.addi %mul3A_2, %add3A_41 : i32
    %dma_start3A_43 = arith.constant 0 : i32
    %dma_start3A_44 = tpu.memref_slice %arg4[%add3A_42, %dma_start3A_43] : memref<16384x4096xf32, #tpu.memory_space<hbm>> -> memref<8x4096xf32, #tpu.memory_space<hbm>>
    %dma_start3A_45 = arith.constant 0 : i32
    %dma_start3A_46 = tpu.memref_slice %arg4[%add3A_42, %dma_start3A_45] : memref<16384x4096xf32, #tpu.memory_space<hbm>> -> memref<8x4096xf32, #tpu.memory_space<hbm>>
    tpu.enqueue_dma source(%arg7 : memref<8x4096xf32, #tpu.memory_space<vmem>>) target(%dma_start3A_46 : memref<8x4096xf32, #tpu.memory_space<hbm>>) target_semaphore(%arg13 : memref<!tpu.dma_semaphore, #tpu.memory_space<semaphore_mem>>)
    %scan3A = arith.constant 0 : i32
    %scan3A_47 = arith.constant 20 : i32
    %scan3A_48 = arith.addi %scan3A, %scan3A_47 : i32
    %scan3A_49 = arith.constant 1 : i32
    scf.for %scan3A_85 = %scan3A to %scan3A_48 step %scan3A_49  : i32 {
      %mul3A_86 = arith.constant 3 : i32
      %mul3A_87 = arith.muli %mul3A_86, %scan3A_85 : i32
      %add3A_88 = arith.constant 2 : i32
      %add3A_89 = arith.addi %add3A_88, %mul3A_87 : i32
      %add3A_90 = arith.constant 0 : i32
      %add3A_91 = arith.addi %add3A_89, %add3A_90 : i32
      %dma_wait3A_92 = arith.constant 0 : i32
      %dma_wait3A_93 = tpu.memref_slice %arg5[%dma_wait3A_92] : memref<512xi32, #tpu.memory_space<vmem>> -> memref<8xi32, #tpu.memory_space<vmem>>
      %dma_wait3A_94 = arith.constant 0 : i32
      %dma_wait3A_95 = arith.constant 0 : i32
      %dma_wait3A_96 = tpu.memref_slice %arg3[%dma_wait3A_94, %dma_wait3A_95] : memref<32000x4096xf32, #tpu.memory_space<hbm>> -> memref<32000x4096xf32, #tpu.memory_space<hbm>>
      tpu.wait_indirect_dma semaphore(%arg11 : memref<!tpu.dma_semaphore, #tpu.memory_space<semaphore_mem>>) src(%dma_wait3A_96 : memref<32000x4096xf32, #tpu.memory_space<hbm>>) dst(%arg8 : memref<8x4096xf32, #tpu.memory_space<vmem>>)
      %dma_wait3A_97 = arith.constant 0 : i32
      %dma_wait3A_98 = tpu.memref_slice %arg4[%mul3A_2, %dma_wait3A_97] : memref<16384x4096xf32, #tpu.memory_space<hbm>> -> memref<8x4096xf32, #tpu.memory_space<hbm>>
      %dma_wait3A_99 = arith.constant 0 : i32
      %dma_wait3A_100 = tpu.memref_slice %arg4[%mul3A_2, %dma_wait3A_99] : memref<16384x4096xf32, #tpu.memory_space<hbm>> -> memref<8x4096xf32, #tpu.memory_space<hbm>>
      tpu.wait_dma2 semaphore(%arg13 : memref<!tpu.dma_semaphore, #tpu.memory_space<semaphore_mem>>) src(%arg7 : memref<8x4096xf32, #tpu.memory_space<vmem>>) dst(%dma_wait3A_100 : memref<8x4096xf32, #tpu.memory_space<hbm>>)
      %add3A_101 = arith.constant 2 : i32
      %add3A_102 = arith.addi %add3A_91, %add3A_101 : i32
      %mul3A_103 = arith.constant 8 : i32
      %mul3A_104 = arith.muli %add3A_102, %mul3A_103 : i32
      %dma_start3A_105 = tpu.memref_slice %arg5[%mul3A_104] : memref<512xi32, #tpu.memory_space<vmem>> -> memref<8xi32, #tpu.memory_space<vmem>>
      %dma_start3A_106 = arith.constant 0 : i32
      %dma_start3A_107 = arith.constant 0 : i32
      %dma_start3A_108 = tpu.memref_slice %arg3[%dma_start3A_106, %dma_start3A_107] : memref<32000x4096xf32, #tpu.memory_space<hbm>> -> memref<32000x4096xf32, #tpu.memory_space<hbm>>
      tpu.enqueue_indirect_dma source(%dma_start3A_108 : memref<32000x4096xf32, #tpu.memory_space<hbm>>) target(%arg7 : memref<8x4096xf32, #tpu.memory_space<vmem>>) offsets(%dma_start3A_105 : memref<8xi32, #tpu.memory_space<vmem>>) semaphore(%arg10 : memref<!tpu.dma_semaphore, #tpu.memory_space<semaphore_mem>>)
      %mul3A_109 = arith.constant 8 : i32
      %mul3A_110 = arith.muli %add3A_91, %mul3A_109 : i32
      %add3A_111 = arith.addi %mul3A_2, %mul3A_110 : i32
      %dma_start3A_112 = arith.constant 0 : i32
      %dma_start3A_113 = tpu.memref_slice %arg4[%add3A_111, %dma_start3A_112] : memref<16384x4096xf32, #tpu.memory_space<hbm>> -> memref<8x4096xf32, #tpu.memory_space<hbm>>
      %dma_start3A_114 = arith.constant 0 : i32
      %dma_start3A_115 = tpu.memref_slice %arg4[%add3A_111, %dma_start3A_114] : memref<16384x4096xf32, #tpu.memory_space<hbm>> -> memref<8x4096xf32, #tpu.memory_space<hbm>>
      tpu.enqueue_dma source(%arg8 : memref<8x4096xf32, #tpu.memory_space<vmem>>) target(%dma_start3A_115 : memref<8x4096xf32, #tpu.memory_space<hbm>>) target_semaphore(%arg14 : memref<!tpu.dma_semaphore, #tpu.memory_space<semaphore_mem>>)
      %mul3A_116 = arith.constant 3 : i32
      %mul3A_117 = arith.muli %mul3A_116, %scan3A_85 : i32
      %add3A_118 = arith.constant 2 : i32
      %add3A_119 = arith.addi %add3A_118, %mul3A_117 : i32
      %add3A_120 = arith.constant 1 : i32
      %add3A_121 = arith.addi %add3A_119, %add3A_120 : i32
      %dma_wait3A_122 = arith.constant 0 : i32
      %dma_wait3A_123 = tpu.memref_slice %arg5[%dma_wait3A_122] : memref<512xi32, #tpu.memory_space<vmem>> -> memref<8xi32, #tpu.memory_space<vmem>>
      %dma_wait3A_124 = arith.constant 0 : i32
      %dma_wait3A_125 = arith.constant 0 : i32
      %dma_wait3A_126 = tpu.memref_slice %arg3[%dma_wait3A_124, %dma_wait3A_125] : memref<32000x4096xf32, #tpu.memory_space<hbm>> -> memref<32000x4096xf32, #tpu.memory_space<hbm>>
      tpu.wait_indirect_dma semaphore(%arg9 : memref<!tpu.dma_semaphore, #tpu.memory_space<semaphore_mem>>) src(%dma_wait3A_126 : memref<32000x4096xf32, #tpu.memory_space<hbm>>) dst(%arg6 : memref<8x4096xf32, #tpu.memory_space<vmem>>)
      %dma_wait3A_127 = arith.constant 0 : i32
      %dma_wait3A_128 = tpu.memref_slice %arg4[%mul3A_2, %dma_wait3A_127] : memref<16384x4096xf32, #tpu.memory_space<hbm>> -> memref<8x4096xf32, #tpu.memory_space<hbm>>
      %dma_wait3A_129 = arith.constant 0 : i32
      %dma_wait3A_130 = tpu.memref_slice %arg4[%mul3A_2, %dma_wait3A_129] : memref<16384x4096xf32, #tpu.memory_space<hbm>> -> memref<8x4096xf32, #tpu.memory_space<hbm>>
      tpu.wait_dma2 semaphore(%arg14 : memref<!tpu.dma_semaphore, #tpu.memory_space<semaphore_mem>>) src(%arg8 : memref<8x4096xf32, #tpu.memory_space<vmem>>) dst(%dma_wait3A_130 : memref<8x4096xf32, #tpu.memory_space<hbm>>)
      %add3A_131 = arith.constant 2 : i32
      %add3A_132 = arith.addi %add3A_121, %add3A_131 : i32
      %mul3A_133 = arith.constant 8 : i32
      %mul3A_134 = arith.muli %add3A_132, %mul3A_133 : i32
      %dma_start3A_135 = tpu.memref_slice %arg5[%mul3A_134] : memref<512xi32, #tpu.memory_space<vmem>> -> memref<8xi32, #tpu.memory_space<vmem>>
      %dma_start3A_136 = arith.constant 0 : i32
      %dma_start3A_137 = arith.constant 0 : i32
      %dma_start3A_138 = tpu.memref_slice %arg3[%dma_start3A_136, %dma_start3A_137] : memref<32000x4096xf32, #tpu.memory_space<hbm>> -> memref<32000x4096xf32, #tpu.memory_space<hbm>>
      tpu.enqueue_indirect_dma source(%dma_start3A_138 : memref<32000x4096xf32, #tpu.memory_space<hbm>>) target(%arg8 : memref<8x4096xf32, #tpu.memory_space<vmem>>) offsets(%dma_start3A_135 : memref<8xi32, #tpu.memory_space<vmem>>) semaphore(%arg11 : memref<!tpu.dma_semaphore, #tpu.memory_space<semaphore_mem>>)
      %mul3A_139 = arith.constant 8 : i32
      %mul3A_140 = arith.muli %add3A_121, %mul3A_139 : i32
      %add3A_141 = arith.addi %mul3A_2, %mul3A_140 : i32
      %dma_start3A_142 = arith.constant 0 : i32
      %dma_start3A_143 = tpu.memref_slice %arg4[%add3A_141, %dma_start3A_142] : memref<16384x4096xf32, #tpu.memory_space<hbm>> -> memref<8x4096xf32, #tpu.memory_space<hbm>>
      %dma_start3A_144 = arith.constant 0 : i32
      %dma_start3A_145 = tpu.memref_slice %arg4[%add3A_141, %dma_start3A_144] : memref<16384x4096xf32, #tpu.memory_space<hbm>> -> memref<8x4096xf32, #tpu.memory_space<hbm>>
      tpu.enqueue_dma source(%arg6 : memref<8x4096xf32, #tpu.memory_space<vmem>>) target(%dma_start3A_145 : memref<8x4096xf32, #tpu.memory_space<hbm>>) target_semaphore(%arg12 : memref<!tpu.dma_semaphore, #tpu.memory_space<semaphore_mem>>)
      %mul3A_146 = arith.constant 3 : i32
      %mul3A_147 = arith.muli %mul3A_146, %scan3A_85 : i32
      %add3A_148 = arith.constant 2 : i32
      %add3A_149 = arith.addi %add3A_148, %mul3A_147 : i32
      %add3A_150 = arith.constant 2 : i32
      %add3A_151 = arith.addi %add3A_149, %add3A_150 : i32
      %dma_wait3A_152 = arith.constant 0 : i32
      %dma_wait3A_153 = tpu.memref_slice %arg5[%dma_wait3A_152] : memref<512xi32, #tpu.memory_space<vmem>> -> memref<8xi32, #tpu.memory_space<vmem>>
      %dma_wait3A_154 = arith.constant 0 : i32
      %dma_wait3A_155 = arith.constant 0 : i32
      %dma_wait3A_156 = tpu.memref_slice %arg3[%dma_wait3A_154, %dma_wait3A_155] : memref<32000x4096xf32, #tpu.memory_space<hbm>> -> memref<32000x4096xf32, #tpu.memory_space<hbm>>
      tpu.wait_indirect_dma semaphore(%arg10 : memref<!tpu.dma_semaphore, #tpu.memory_space<semaphore_mem>>) src(%dma_wait3A_156 : memref<32000x4096xf32, #tpu.memory_space<hbm>>) dst(%arg7 : memref<8x4096xf32, #tpu.memory_space<vmem>>)
      %dma_wait3A_157 = arith.constant 0 : i32
      %dma_wait3A_158 = tpu.memref_slice %arg4[%mul3A_2, %dma_wait3A_157] : memref<16384x4096xf32, #tpu.memory_space<hbm>> -> memref<8x4096xf32, #tpu.memory_space<hbm>>
      %dma_wait3A_159 = arith.constant 0 : i32
      %dma_wait3A_160 = tpu.memref_slice %arg4[%mul3A_2, %dma_wait3A_159] : memref<16384x4096xf32, #tpu.memory_space<hbm>> -> memref<8x4096xf32, #tpu.memory_space<hbm>>
      tpu.wait_dma2 semaphore(%arg12 : memref<!tpu.dma_semaphore, #tpu.memory_space<semaphore_mem>>) src(%arg6 : memref<8x4096xf32, #tpu.memory_space<vmem>>) dst(%dma_wait3A_160 : memref<8x4096xf32, #tpu.memory_space<hbm>>)
      %add3A_161 = arith.constant 2 : i32
      %add3A_162 = arith.addi %add3A_151, %add3A_161 : i32
      %mul3A_163 = arith.constant 8 : i32
      %mul3A_164 = arith.muli %add3A_162, %mul3A_163 : i32
      %dma_start3A_165 = tpu.memref_slice %arg5[%mul3A_164] : memref<512xi32, #tpu.memory_space<vmem>> -> memref<8xi32, #tpu.memory_space<vmem>>
      %dma_start3A_166 = arith.constant 0 : i32
      %dma_start3A_167 = arith.constant 0 : i32
      %dma_start3A_168 = tpu.memref_slice %arg3[%dma_start3A_166, %dma_start3A_167] : memref<32000x4096xf32, #tpu.memory_space<hbm>> -> memref<32000x4096xf32, #tpu.memory_space<hbm>>
      tpu.enqueue_indirect_dma source(%dma_start3A_168 : memref<32000x4096xf32, #tpu.memory_space<hbm>>) target(%arg6 : memref<8x4096xf32, #tpu.memory_space<vmem>>) offsets(%dma_start3A_165 : memref<8xi32, #tpu.memory_space<vmem>>) semaphore(%arg9 : memref<!tpu.dma_semaphore, #tpu.memory_space<semaphore_mem>>)
      %mul3A_169 = arith.constant 8 : i32
      %mul3A_170 = arith.muli %add3A_151, %mul3A_169 : i32
      %add3A_171 = arith.addi %mul3A_2, %mul3A_170 : i32
      %dma_start3A_172 = arith.constant 0 : i32
      %dma_start3A_173 = tpu.memref_slice %arg4[%add3A_171, %dma_start3A_172] : memref<16384x4096xf32, #tpu.memory_space<hbm>> -> memref<8x4096xf32, #tpu.memory_space<hbm>>
      %dma_start3A_174 = arith.constant 0 : i32
      %dma_start3A_175 = tpu.memref_slice %arg4[%add3A_171, %dma_start3A_174] : memref<16384x4096xf32, #tpu.memory_space<hbm>> -> memref<8x4096xf32, #tpu.memory_space<hbm>>
      tpu.enqueue_dma source(%arg7 : memref<8x4096xf32, #tpu.memory_space<vmem>>) target(%dma_start3A_175 : memref<8x4096xf32, #tpu.memory_space<hbm>>) target_semaphore(%arg13 : memref<!tpu.dma_semaphore, #tpu.memory_space<semaphore_mem>>)
    }
    %scan3A_50 = arith.constant 20 : i32
    %dma_wait3A_51 = arith.constant 0 : i32
    %dma_wait3A_52 = tpu.memref_slice %arg5[%dma_wait3A_51] : memref<512xi32, #tpu.memory_space<vmem>> -> memref<8xi32, #tpu.memory_space<vmem>>
    %dma_wait3A_53 = arith.constant 0 : i32
    %dma_wait3A_54 = arith.constant 0 : i32
    %dma_wait3A_55 = tpu.memref_slice %arg3[%dma_wait3A_53, %dma_wait3A_54] : memref<32000x4096xf32, #tpu.memory_space<hbm>> -> memref<32000x4096xf32, #tpu.memory_space<hbm>>
    tpu.wait_indirect_dma semaphore(%arg11 : memref<!tpu.dma_semaphore, #tpu.memory_space<semaphore_mem>>) src(%dma_wait3A_55 : memref<32000x4096xf32, #tpu.memory_space<hbm>>) dst(%arg8 : memref<8x4096xf32, #tpu.memory_space<vmem>>)
    %dma_wait3A_56 = arith.constant 0 : i32
    %dma_wait3A_57 = tpu.memref_slice %arg4[%mul3A_2, %dma_wait3A_56] : memref<16384x4096xf32, #tpu.memory_space<hbm>> -> memref<8x4096xf32, #tpu.memory_space<hbm>>
    %dma_wait3A_58 = arith.constant 0 : i32
    %dma_wait3A_59 = tpu.memref_slice %arg4[%mul3A_2, %dma_wait3A_58] : memref<16384x4096xf32, #tpu.memory_space<hbm>> -> memref<8x4096xf32, #tpu.memory_space<hbm>>
    tpu.wait_dma2 semaphore(%arg13 : memref<!tpu.dma_semaphore, #tpu.memory_space<semaphore_mem>>) src(%arg7 : memref<8x4096xf32, #tpu.memory_space<vmem>>) dst(%dma_wait3A_59 : memref<8x4096xf32, #tpu.memory_space<hbm>>)
    %add3A_60 = arith.constant 496 : i32
    %add3A_61 = arith.addi %mul3A_2, %add3A_60 : i32
    %dma_start3A_62 = arith.constant 0 : i32
    %dma_start3A_63 = tpu.memref_slice %arg4[%add3A_61, %dma_start3A_62] : memref<16384x4096xf32, #tpu.memory_space<hbm>> -> memref<8x4096xf32, #tpu.memory_space<hbm>>
    %dma_start3A_64 = arith.constant 0 : i32
    %dma_start3A_65 = tpu.memref_slice %arg4[%add3A_61, %dma_start3A_64] : memref<16384x4096xf32, #tpu.memory_space<hbm>> -> memref<8x4096xf32, #tpu.memory_space<hbm>>
    tpu.enqueue_dma source(%arg8 : memref<8x4096xf32, #tpu.memory_space<vmem>>) target(%dma_start3A_65 : memref<8x4096xf32, #tpu.memory_space<hbm>>) target_semaphore(%arg14 : memref<!tpu.dma_semaphore, #tpu.memory_space<semaphore_mem>>)
    %dma_wait3A_66 = arith.constant 0 : i32
    %dma_wait3A_67 = tpu.memref_slice %arg5[%dma_wait3A_66] : memref<512xi32, #tpu.memory_space<vmem>> -> memref<8xi32, #tpu.memory_space<vmem>>
    %dma_wait3A_68 = arith.constant 0 : i32
    %dma_wait3A_69 = arith.constant 0 : i32
    %dma_wait3A_70 = tpu.memref_slice %arg3[%dma_wait3A_68, %dma_wait3A_69] : memref<32000x4096xf32, #tpu.memory_space<hbm>> -> memref<32000x4096xf32, #tpu.memory_space<hbm>>
    tpu.wait_indirect_dma semaphore(%arg9 : memref<!tpu.dma_semaphore, #tpu.memory_space<semaphore_mem>>) src(%dma_wait3A_70 : memref<32000x4096xf32, #tpu.memory_space<hbm>>) dst(%arg6 : memref<8x4096xf32, #tpu.memory_space<vmem>>)
    %add3A_71 = arith.constant 504 : i32
    %add3A_72 = arith.addi %mul3A_2, %add3A_71 : i32
    %dma_start3A_73 = arith.constant 0 : i32
    %dma_start3A_74 = tpu.memref_slice %arg4[%add3A_72, %dma_start3A_73] : memref<16384x4096xf32, #tpu.memory_space<hbm>> -> memref<8x4096xf32, #tpu.memory_space<hbm>>
    %dma_start3A_75 = arith.constant 0 : i32
    %dma_start3A_76 = tpu.memref_slice %arg4[%add3A_72, %dma_start3A_75] : memref<16384x4096xf32, #tpu.memory_space<hbm>> -> memref<8x4096xf32, #tpu.memory_space<hbm>>
    tpu.enqueue_dma source(%arg6 : memref<8x4096xf32, #tpu.memory_space<vmem>>) target(%dma_start3A_76 : memref<8x4096xf32, #tpu.memory_space<hbm>>) target_semaphore(%arg12 : memref<!tpu.dma_semaphore, #tpu.memory_space<semaphore_mem>>)
    %dma_wait3A_77 = arith.constant 0 : i32
    %dma_wait3A_78 = tpu.memref_slice %arg4[%mul3A_2, %dma_wait3A_77] : memref<16384x4096xf32, #tpu.memory_space<hbm>> -> memref<8x4096xf32, #tpu.memory_space<hbm>>
    %dma_wait3A_79 = arith.constant 0 : i32
    %dma_wait3A_80 = tpu.memref_slice %arg4[%mul3A_2, %dma_wait3A_79] : memref<16384x4096xf32, #tpu.memory_space<hbm>> -> memref<8x4096xf32, #tpu.memory_space<hbm>>
    tpu.wait_dma2 semaphore(%arg14 : memref<!tpu.dma_semaphore, #tpu.memory_space<semaphore_mem>>) src(%arg8 : memref<8x4096xf32, #tpu.memory_space<vmem>>) dst(%dma_wait3A_80 : memref<8x4096xf32, #tpu.memory_space<hbm>>)
    %dma_wait3A_81 = arith.constant 0 : i32
    %dma_wait3A_82 = tpu.memref_slice %arg4[%mul3A_2, %dma_wait3A_81] : memref<16384x4096xf32, #tpu.memory_space<hbm>> -> memref<8x4096xf32, #tpu.memory_space<hbm>>
    %dma_wait3A_83 = arith.constant 0 : i32
    %dma_wait3A_84 = tpu.memref_slice %arg4[%mul3A_2, %dma_wait3A_83] : memref<16384x4096xf32, #tpu.memory_space<hbm>> -> memref<8x4096xf32, #tpu.memory_space<hbm>>
    tpu.wait_dma2 semaphore(%arg12 : memref<!tpu.dma_semaphore, #tpu.memory_space<semaphore_mem>>) src(%arg6 : memref<8x4096xf32, #tpu.memory_space<vmem>>) dst(%dma_wait3A_84 : memref<8x4096xf32, #tpu.memory_space<hbm>>)
    return
  }
}

</mosaic_0001>

<sc_bundles>
// kernel: _embed.3.cloned.1.call-start
scs
__scs_entry_jumppad:
0x0: {  	(pc) =	sbr.rel $0x88, $3  }
0x1: {  	(tag) =	ssettag $0x0;
	lr =	simm.s32 $0x1  }
0x2: {  	[smem:$0x3F9F] =	sst lr;
	_ =	strace $0xD0000000  }
0x3: {  	_ = 	snop  }
0x4: {  	_ = 	snop  }
0x5: {  	_ = 	snop  }
0x6: {  	_ = 	snop  }
0x7: {  	_ = 	snop  }
__scs_overlays_trampoline_lowered:
0x8: {  	[smem:$0x3FAE] =	sst s0  }
0x9: {  	[smem:$0x3FAF] =	sst s1  }
0xa: {  	[smem:$0x3FB0] =	sst s2  }
0xb: {  	[smem:$0x3FB1] =	sst s3  }
0xc: {  	[smem:$0x3FB2] =	sst s4  }
0xd: {  	[smem:$0x3FB3] =	sst s5  }
0xe: {  	[smem:$0x3FB4] =	sst s6  }
0xf: {  	[smem:$0x3FB5] =	sst s7  }
0x10: {  	[smem:$0x3FB6] =	sst s8  }
0x11: {  	[smem:$0x3FB7] =	sst s9;
	s0 =	simm.s32 @!p0 $0x0  }
0x12: {  	s1 =	sld [smem:$0x3F9D];
	s0 =	simm.s32 @p0 $0x1  }
0x13: {  	[smem:$0x3FB8] =	sst s0;
	s0 =	simm.s32 @!p1 $0x0  }
0x14: {  	s2 =	sld [smem:$0x3F9C];
	s0 =	simm.s32 @p1 $0x1  }
0x15: {  	[smem:$0x3FB9] =	sst s0;
	s0 =	simm.s32 @!p2 $0x0  }
0x16: {  	s3 =	sld [smem:$0x3FDB];
	s0 =	simm.s32 @p2 $0x1  }
0x17: {  	s4 =	simm.s32 $0x1BF5;
	[smem:$0x3FBB] =	sst s0  }
0x18: {  	s0 =	sld [smem:$0x3F9E];
	_ =	swait.ge [sflag:s4], $0x0  }
0x19: {  	s7 =	sld [smem:$0x3F9F]  }
0x1a: {  	s8 =	sadd.s32 $0xFFFFE003, lr  }
0x1b: {  	s9 =	sadd.s32 $0xFFFFFEF7, lr;
	s5 =	simm.s32 $0xFFFFFFFF;
	p2 =	slt.u32 s8, $0xFFFFF086  }
0x1c: {  	p1 =	slt.u32 s9, $0xF7A;
	s5 =	simm.s32 @!p2 $0x0  }
0x1d: {  	s5 =	simm.s32 @p1 $0x1;
	p0 =	seq.s32 s7, s2  }
0x1e: {  	s7 =	smul.u32 @!p0 $0xF7A, s2;
	p2 =	seq.s32 @!p0 s5, $0x0  }
0x1f: {  	s9 =	smul.u32 $0xF7A, s1;
	s8 =	simm.s32 @!p0 $0x1BF5;
	p2 =	por !p2, p0  }
0x20: {  	[sflag:s8] =	ssyncset.s32 @!p0 $0xFFFFF086;
	s6 =	sadd.s32 @!p0 s3, s7;
	s7 =	simm.s32 @!p0 $0x108  }
0x21: {  	s3 =	sadd.s32 s3, s9;
	s6 =	sadd.s32 @!p0 $0x88, s6;
	s7 =	simm.s32 @p2 $0x1082  }
0x22: {  	[simem:s7], [sflag:s8] =	dma.local @!p0 [hbm:s6], $0xF7A  }
0x23: {  	s9 =	sor.u32 $0xD0000000, s2;
	s6 =	simm.s32 $0x108;
	_ =	swait.ge @!p0 [sflag:s8], $0x0  }
0x24: {  	s3 =	sadd.s32 $0x88, s3;
	s6 =	simm.s32 @!p1 $0x1082;
	[sflag:s4] =	ssyncset.s32 $0xFFFFF086  }
0x25: {  	[simem:s6], [sflag:s4] =	dma.local [hbm:s3], $0xF7A  }
0x26: {  	[smem:$0x3F9F] =	sst s1;
	(tag) =	ssettag s2;
	_ =	strace s9  }
0x27: {  	s1 =	sld [smem:$0x3FAF]  }
0x28: {  	s2 =	sld [smem:$0x3FB0]  }
0x29: {  	s4 =	sld [smem:$0x3FB2]  }
0x2a: {  	p0 =	seq.s32 s5, $0x0;
	s5 =	sld [smem:$0x3FB3]  }
0x2b: {  	s6 =	sld [smem:$0x3FB4]  }
0x2c: {  	s7 =	sld [smem:$0x3FB5]  }
0x2d: {  	s3 =	simm.s32 $0x108;
	s8 =	sld [smem:$0x3FB6]  }
0x2e: {  	s3 =	simm.s32 @!p0 $0x1082;
	s9 =	sld [smem:$0x3FB7]  }
0x2f: {  	lr =	sadd.s32 s0, s3;
	s0 =	sld [smem:$0x3FAE]  }
0x30: {  	s3 =	sld [smem:$0x3FB1]  }
0x31: {  	[smem:$0x3FBA] =	sst s10  }
0x32: {  	s10 =	sld [smem:$0x3FB8];
	_ =	sdelay $0x3  }
0x33: {  	p0 =	seq.s32 s10, $0x1;
	s10 =	sld [smem:$0x3FBA];
	_ =	sdelay $0x3  }
0x34: {  	[smem:$0x3FBA] =	sst s10  }
0x35: {  	s10 =	sld [smem:$0x3FB9];
	_ =	sdelay $0x3  }
0x36: {  	p1 =	seq.s32 s10, $0x1;
	s10 =	sld [smem:$0x3FBA];
	_ =	sdelay $0x3  }
0x37: {  	[smem:$0x3FBA] =	sst s10  }
0x38: {  	s10 =	sld [smem:$0x3FBB]  }
0x39: {  	_ = 	snop;
	(pc) =	sbr.ind lr, $3  }
0x3a: {  	_ = 	snop  }
0x3b: {  	_ = 	snop  }
0x3c: {  	p2 =	seq.s32 s10, $0x1;
	s10 =	sld [smem:$0x3FBA]  }
0x3d: {  	_ =	shalt  }
0x3e: {  	_ =	shalt  }
0x3f: {  	_ =	shalt  }
0x40: {  	_ =	shalt  }
0x41: {  	_ =	shalt  }
0x42: {  	_ =	shalt  }
0x43: {  	_ =	shalt  }
0x44: {  	_ =	shalt  }
0x45: {  	_ =	shalt  }
0x46: {  	_ =	shalt  }
0x47: {  	_ =	shalt  }
0x48: {  	_ =	shalt  }
0x49: {  	_ =	shalt  }
0x4a: {  	_ =	shalt  }
0x4b: {  	_ =	shalt  }
0x4c: {  	_ =	shalt  }
0x4d: {  	_ =	shalt  }
0x4e: {  	_ =	shalt  }
0x4f: {  	_ =	shalt  }
0x50: {  	_ =	shalt  }
0x51: {  	_ =	shalt  }
0x52: {  	_ =	shalt  }
0x53: {  	_ =	shalt  }
0x54: {  	_ =	shalt  }
0x55: {  	_ =	shalt  }
0x56: {  	_ =	shalt  }
0x57: {  	_ =	shalt  }
0x58: {  	_ =	shalt  }
0x59: {  	_ =	shalt  }
0x5a: {  	_ =	shalt  }
0x5b: {  	_ =	shalt  }
0x5c: {  	_ =	shalt  }
0x5d: {  	_ =	shalt  }
0x5e: {  	_ =	shalt  }
0x5f: {  	_ =	shalt  }
0x60: {  	_ =	shalt  }
0x61: {  	_ =	shalt  }
0x62: {  	_ =	shalt  }
0x63: {  	_ =	shalt  }
0x64: {  	_ =	shalt  }
0x65: {  	_ =	shalt  }
0x66: {  	_ =	shalt  }
0x67: {  	_ =	shalt  }
0x68: {  	_ =	shalt  }
0x69: {  	_ =	shalt  }
0x6a: {  	_ =	shalt  }
0x6b: {  	_ =	shalt  }
0x6c: {  	_ =	shalt  }
0x6d: {  	_ =	shalt  }
0x6e: {  	_ =	shalt  }
0x6f: {  	_ =	shalt  }
0x70: {  	_ =	shalt  }
0x71: {  	_ =	shalt  }
0x72: {  	_ =	shalt  }
0x73: {  	_ =	shalt  }
0x74: {  	_ =	shalt  }
0x75: {  	_ =	shalt  }
0x76: {  	_ =	shalt  }
0x77: {  	_ =	shalt  }
0x78: {  	_ =	shalt  }
0x79: {  	_ =	shalt  }
0x7a: {  	_ =	shalt  }
0x7b: {  	_ =	shalt  }
0x7c: {  	_ =	shalt  }
0x7d: {  	_ =	shalt  }
0x7e: {  	_ =	shalt  }
0x7f: {  	_ =	shalt  }
0x80: {  	_ =	shalt  }
0x81: {  	_ =	shalt  }
0x82: {  	_ =	shalt  }
0x83: {  	_ =	shalt  }
0x84: {  	_ =	shalt  }
0x85: {  	_ =	shalt  }
0x86: {  	_ =	shalt  }
0x87: {  	_ =	shalt  }
.Lfunc_end0:
.L_simem_size_0:
called_computation_lowered:
.L_overlay_start_0:
0x88: {  	s2 =	sld [smem:$0x3FD9]  }
0x89: {  	s3 =	sld [smem:$0x3FFE];
	_ =	sdelay $0x1  }
0x8a: {  	s1 =	srdreg.scid  }
0x8b: {  	s0 =	sand.u32 $0x1, s1  }
0x8c: {  	s18 =	sshll.u32 s0, $0xA;
	s2 =	sadd.s32 s3, s2  }
0x8d: {  	s2 =	sadd.s32 s2, s18  }
0x8e: {  	[smem:$0x3FC6] =	sst s2  }
0x8f: {  	_ = 	snop  }
0x90: {  	s2 =	sld [smem:$0x3FC9]  }
0x91: {  	s19 =	sld [smem:$0x3FC8]  }
0x92: {  	s4 =	sld [smem:$0x3FD0];
	(tm) =	ssettm $0x1  }
0x93: {  	s5 =	sld [smem:$0x3FFB];
	_ =	sdelay $0x3  }
0x94: {  	_ =	strace s5  }
0x95: {  	s5 =	sld [smem:$0x3FFC];
	_ =	sdelay $0x3  }
0x96: {  	_ =	strace s5  }
0x97: {  	s5 =	sld [smem:$0x3FFD];
	_ =	sdelay $0x3  }
0x98: {  	_ =	strace s5  }
0x99: {  	_ =	strace $0x8FFFFFFF  }
0x9a: {  	s20 =	sld [smem:$0x3FDB];
	_ =	sdelay $0x1  }
0x9b: {  	s6 =	simm.s32 $_scs_section_size  }
0x9c: {  	s7 =	simm.s32 $_size__tile_overlayer_lowered;
	s8 =	simm.s32 $_tile_overlayer_lowered  }
0x9d: {  	s23 =	simm.s32 $0x1BFF;
	s22 =	sshll.u32 s8, $0x1;
	s5 =	sadd.s32 s6, s20  }
0x9e: {  	s9 =	simm.s32 $0x0;
	s21 =	sshll.u32 s7, $0x1;
	s7 =	sadd.s32 s22, s5  }
0x9f: {  	[timem:s9], [sflag:s23] =	dma.local [hbm:s7], s21  }
0xa0: {  	_ =	swait.ge [sflag:s23], s21  }
0xa1: {  	s6 =	ssub.s32 $0x0, s21;
	[sflag:s23] =	ssyncset.done $0x0  }
0xa2: {  	[sflag:s23] =	ssyncadd.s32 s6;
	_ =	sdelay $0x1  }
0xa3: {  	s24 =	simm.s32 $0x1B8B  }
0xa4: {  	_ =	swait.ge [sflag:s24], $0x1  }
0xa5: {  	[sflag:s24] =	ssyncset.done $0x0  }
0xa6: {  	s25 =	simm.s32 $0x1B8E;
	[sflag:s24] =	ssyncadd.s32 $0xFFFFFFFF  }
0xa7: {  	s26 =	simm.s32 $execute0_lowered;
	[smem:$0x3FD2] =	sst s25  }
0xa8: {  	s6 =	sshll.u32 s26, $0x1;
	_ =	strace $0x80000046;
	[dreg:$0x1] =	wrdreg $0xFFFFFFFF  }
0xa9: {  	s28 =	simm.s32 $_size_execute0_lowered;
	s5 =	sadd.s32 s5, s6;
	[dreg:$0x0] =	wrdreg $0x0  }
0xaa: {  	s6 =	sshll.u32 s28, $0x1;
	[dreg:$0x2] =	wrdreg s5  }
0xab: {  	[dreg:$0x3] =	wrdreg s6  }
0xac: {  	[dreg:$0x4] =	wrdreg $0xC0  }
0xad: {  	_ =	task [dreg:s9], $0x5FFFF  }
0xae: {  	[dreg:$0x1] =	wrdreg $0xFFFFFFFF  }
0xaf: {  	[dreg:$0x0] =	wrdreg $0x60  }
0xb0: {  	[dreg:$0x2] =	wrdreg s2  }
0xb1: {  	[dreg:$0x3] =	wrdreg s19  }
0xb2: {  	[dreg:$0x4] =	wrdreg s4  }
0xb3: {  	[dreg:$0x5] =	wrdreg $0x9  }
0xb4: {  	_ =	task.clear_ibuf [dreg:s9], $0x6FFFF;
	_ =	strace $0x90000046  }
0xb5: {  	s29 =	simm.s32 $0x9;
	_ =	strace $0x80000048  }
0xb6: {  	_ =	swait.ge [sflag:s29], $0x1  }
0xb7: {  	[sflag:s29] =	ssyncadd.s32 $0xFFFFFFFF  }
0xb8: {  	_ =	strace $0x90000048  }
0xb9: {  	_ =	sfence  }
0xba: {  	s30 =	sld [smem:$0x0];
	_ =	sdelay $0x2  }
0xbb: {  	s31 =	sshll.u32 s1, $0xD;
	s1 =	sshrl.u32 s1, $0x2  }
0xbc: {  	s3 =	sand.u32 $0x4000, s31;
	s1 =	sadd.s32 s1, s30  }
0xbd: {  	s0 =	sor.u32 s3, s0;
	s1 =	sshll.u32 s1, $0x11  }
0xbe: {  	s0 =	sor.u32 s1, s0  }
0xbf: {  	s0 =	sadd.s32 $0x8F2B, s0  }
0xc0: {  	[sflag:s0] =	ssyncadd.remote.s32 $0x1  }
0xc1: {  	_ =	sfence.sel $0xFFFF  }
0xc2: {  	[dreg:$0x0] =	wrdreg $0xFFFFFFFF;
	(pc) =	sbr.abs _section_cstart, $3  }
0xc3: {  	[dreg:$0x1] =	wrdreg $0xFFFFFFFF  }
0xc4: {  	_ =	task.clear_ibuf [dreg:s9], $0x2FFFF;
	_ =	strace $0x9FFFFFFF  }
0xc5: {  	(tm) =	ssettm $0x7FFFFFFF  }
tec
execute0_lowered:
.L_overlay_start_1:
0x0: {  	(tag) =	ssettag $0x1  }
0x1: {  	s0 =	rddreg [dreg:$0x0]  }
0x2: {  	s2 =	rddreg [dreg:$0x1]  }
0x3: {  	s1 =	rddreg [dreg:$0x2];
	s3 =	srdreg.scid  }
0x4: {  	s21 =	stileid.u32;
	s28 =	simm.s32 $0x1A00;
	s29 =	simm.s32 $0x2A00  }
0x5: {  	s30 =	simm.s32 $0x3200;
	s31 =	simm.s32 $0x5;
	s4 =	sand.u32 $0x1, s3  }
0x6: {  	s3 =	simm.s32 $0x0;
	s5 =	sshll.u32 s21, $0xA;
	s8 =	sadd.s32 $0x400, s2  }
0x7: {  	s9 =	sadd.s32 $0x500, s2;
	s10 =	sadd.s32 $0x600, s2;
	s11 =	sadd.s32 $0x700, s2  }
0x8: {  	s12 =	sadd.s32 $0x800, s2;
	s13 =	sadd.s32 $0x900, s2;
	s14 =	sadd.s32 $0xA00, s2  }
0x9: {  	s15 =	sadd.s32 $0xB00, s2;
	s16 =	sadd.s32 $0xC00, s2;
	s18 =	sadd.s32 $0xE00, s2  }
0xa: {  	s21 =	sshll.u32 s21, $0x13;
	s6 =	sshll.u32 s4, $0x9;
	[smem:$0x7FF] =	sst s3  }
0xb: {  	s7 =	ssub.s32 $0x2, s4;
	s24 =	sshll.u32 s4, $0x12;
	s4 =	simm.s32 $0x2  }
0xc: {  	s17 =	sor.u32 s6, s5;
	_ =	strace $0x80000047;
	s19 =	sshrl.u32 s7, $0x1  }
0xd: {  	s5 =	sadd.s32 $0x100, s2;
	s6 =	sshrl.u32 s17, $0x3;
	s19 =	ssub.s32 s7, s19  }
0xe: {  	s7 =	sadd.s32 $0x300, s2;
	s20 =	sshll.u32 s17, $0x9;
	s0 =	sadd.s32 s0, s6  }
0xf: {  	s17 =	sadd.s32 $0xD00, s2;
	s22 =	sadd.s32 s1, s20;
	[dreg:$0x5] =	wrdreg s0  }
0x10: {  	s6 =	sadd.s32 $0x200, s2;
	s26 =	smax.u32 s19, $0x1;
	[dreg:$0x6] =	wrdreg s22  }
0x11: {  	s20 =	sadd.s32 $0xF00, s2;
	s0 =	sadd.s32 $0x1000, s22;
	[dreg:$0xa] =	wrdreg s26  }
0x12: {  	s19 =	simm.s32 $0x3;
	s23 =	sadd.s32 $0x3E000, s22;
	[dreg:$0x7] =	wrdreg s0  }
0x13: {  	s25 =	sadd.s32 $0x3F000, s22;
	s22 =	simm.s32 $0x1200;
	[dreg:$0x8] =	wrdreg s23  }
0x14: {  	s26 =	simm.s32 $0x10200;
	s0 =	sadd.s32 s21, s1;
	[dreg:$0x9] =	wrdreg s25  }
0x15: {  	v0 =	vlaneseq.u32;
	s1 =	simm.s32 $0xA00;
	s23 =	simm.s32 $0x2200;
	s0 =	sadd.s32 s24, s0  }
0x16: {  	v1 =	vshrl.u32 v0, $0x3;
	s21 =	simm.s32 $0x1;
	[dreg:$0x4] =	wrdreg s0;
	s0 =	simm.s32 $0x0  }
0x17: {  	vm0 =	vmmov $0xffff;
	v0 =	vand.u32 $0x7, v0;
	v1 =	vmul.u32 $0x8, v1;
	s25 =	simm.s32 $0x6;
	s24 =	simm.s32 $0x4;
	[dreg:$0xb] =	wrdreg s0  }
.LBB2_1:
0x18: {  	s0 =	rddreg [dreg:$0x5]  }
0x19: {  	[tilespmem:s3], [sflag:$0x7] =	stream.linear.gather [hbm4b:s0+s3], $0x200, $0x38;
	[tilespmem:$0x18200] =	vst v63  }
0x1a: {  	s0 =	simm.s32 $0x7  }
0x1b: {  	_ =	swait.ge [sflag:s0], $0x200  }
0x1c: {  	[sflag:s0] =	ssyncset.done $0x0  }
0x1d: {  	[sflag:s0] =	ssyncadd.s32 $0xFFFFFE00  }
0x1e: {  	v2 =	vld.msk [tilespmem:$0x0], $0xff;
	_ =	sdelay $0x4  }
0x1f: {  	v3 =	vshll.u32 v2, $0x5  }
0x20: {  	v2 =	vand.u32 $0x7, v2;
	v3 =	vand.u32 $0xFFFFFF00, v3  }
0x21: {  	v2 =	vor.u32 v2, v3  }
0x22: {  	v2 =	vperm.xlane v2, v0;
	_ =	sdelay $0x1  }
0x23: {  	v2 =	vadd.s32 v1, v2;
	_ =	sdelay $0x3  }
0x24: {  	s0 =	simm.s32 $0x200  }
0x25: {  	[tilespmem:s0], [sflag:$0x1] =	stream.indirect_vreg.gather [hbm4b:s2+s3], $0x80, v2, vm0, $0xb8;
	[tilespmem:$0x18200] =	vst v63  }
0x26: {  	_ = 	snop  }
0x27: {  	[tilespmem:s1], [sflag:$0x1] =	stream.indirect_vreg.gather [hbm4b:s5+s3], $0x80, v2, vm0, $0xb8;
	[tilespmem:$0x18200] =	vst v63  }
0x28: {  	_ = 	snop  }
0x29: {  	[tilespmem:s22], [sflag:$0x1] =	stream.indirect_vreg.gather [hbm4b:s6+s3], $0x80, v2, vm0, $0xb8;
	[tilespmem:$0x18200] =	vst v63  }
0x2a: {  	_ = 	snop  }
0x2b: {  	[tilespmem:s28], [sflag:$0x1] =	stream.indirect_vreg.gather [hbm4b:s7+s3], $0x80, v2, vm0, $0xb8;
	[tilespmem:$0x18200] =	vst v63  }
0x2c: {  	_ = 	snop  }
0x2d: {  	[tilespmem:s23], [sflag:$0x1] =	stream.indirect_vreg.gather [hbm4b:s8+s3], $0x80, v2, vm0, $0xb8;
	[tilespmem:$0x18200] =	vst v63  }
0x2e: {  	_ = 	snop  }
0x2f: {  	[tilespmem:s29], [sflag:$0x1] =	stream.indirect_vreg.gather [hbm4b:s9+s3], $0x80, v2, vm0, $0xb8;
	[tilespmem:$0x18200] =	vst v63  }
0x30: {  	_ = 	snop  }
0x31: {  	[tilespmem:s30], [sflag:$0x1] =	stream.indirect_vreg.gather [hbm4b:s10+s3], $0x80, v2, vm0, $0xb8;
	[tilespmem:$0x18200] =	vst v63  }
0x32: {  	s0 =	simm.s32 $0x3A00  }
0x33: {  	[tilespmem:s0], [sflag:$0x1] =	stream.indirect_vreg.gather [hbm4b:s11+s3], $0x80, v2, vm0, $0xb8;
	[tilespmem:$0x18200] =	vst v63  }
0x34: {  	s0 =	simm.s32 $0x4200  }
0x35: {  	[tilespmem:s0], [sflag:$0x1] =	stream.indirect_vreg.gather [hbm4b:s12+s3], $0x80, v2, vm0, $0xb8;
	[tilespmem:$0x18200] =	vst v63  }
0x36: {  	s0 =	simm.s32 $0x4A00  }
0x37: {  	[tilespmem:s0], [sflag:$0x1] =	stream.indirect_vreg.gather [hbm4b:s13+s3], $0x80, v2, vm0, $0xb8;
	[tilespmem:$0x18200] =	vst v63  }
0x38: {  	s0 =	simm.s32 $0x5200  }
0x39: {  	[tilespmem:s0], [sflag:$0x1] =	stream.indirect_vreg.gather [hbm4b:s14+s3], $0x80, v2, vm0, $0xb8;
	[tilespmem:$0x18200] =	vst v63  }
0x3a: {  	s0 =	simm.s32 $0x5A00  }
0x3b: {  	[tilespmem:s0], [sflag:$0x1] =	stream.indirect_vreg.gather [hbm4b:s15+s3], $0x80, v2, vm0, $0xb8;
	[tilespmem:$0x18200] =	vst v63  }
0x3c: {  	s0 =	simm.s32 $0x6200  }
0x3d: {  	[tilespmem:s0], [sflag:$0x1] =	stream.indirect_vreg.gather [hbm4b:s16+s3], $0x80, v2, vm0, $0xb8;
	[tilespmem:$0x18200] =	vst v63  }
0x3e: {  	s0 =	simm.s32 $0x6A00  }
0x3f: {  	[tilespmem:s0], [sflag:$0x1] =	stream.indirect_vreg.gather [hbm4b:s17+s3], $0x80, v2, vm0, $0xb8;
	[tilespmem:$0x18200] =	vst v63  }
0x40: {  	s0 =	simm.s32 $0x7200  }
0x41: {  	[tilespmem:s0], [sflag:$0x1] =	stream.indirect_vreg.gather [hbm4b:s18+s3], $0x80, v2, vm0, $0xb8;
	[tilespmem:$0x18200] =	vst v63  }
0x42: {  	s0 =	simm.s32 $0x7A00  }
0x43: {  	[tilespmem:s0], [sflag:$0x1] =	stream.indirect_vreg.gather [hbm4b:s20+s3], $0x80, v2, vm0, $0xb8;
	[tilespmem:$0x18200] =	vst v63  }
0x44: {  	v2 =	vld.msk [tilespmem:$0x8], $0xff;
	_ =	sdelay $0x4  }
0x45: {  	v3 =	vshll.u32 v2, $0x5  }
0x46: {  	v2 =	vand.u32 $0x7, v2;
	v3 =	vand.u32 $0xFFFFFF00, v3  }
0x47: {  	v2 =	vor.u32 v2, v3  }
0x48: {  	v2 =	vperm.xlane v2, v0;
	_ =	sdelay $0x1  }
0x49: {  	v2 =	vadd.s32 v1, v2;
	_ =	sdelay $0x3  }
0x4a: {  	s0 =	simm.s32 $0x8200  }
0x4b: {  	[tilespmem:s0], [sflag:$0x2] =	stream.indirect_vreg.gather [hbm4b:s2+s3], $0x80, v2, vm0, $0xb8;
	[tilespmem:$0x18200] =	vst v63  }
0x4c: {  	s0 =	simm.s32 $0x8A00  }
0x4d: {  	[tilespmem:s0], [sflag:$0x2] =	stream.indirect_vreg.gather [hbm4b:s5+s3], $0x80, v2, vm0, $0xb8;
	[tilespmem:$0x18200] =	vst v63  }
0x4e: {  	s0 =	simm.s32 $0x9200  }
0x4f: {  	[tilespmem:s0], [sflag:$0x2] =	stream.indirect_vreg.gather [hbm4b:s6+s3], $0x80, v2, vm0, $0xb8;
	[tilespmem:$0x18200] =	vst v63  }
0x50: {  	s0 =	simm.s32 $0x9A00  }
0x51: {  	[tilespmem:s0], [sflag:$0x2] =	stream.indirect_vreg.gather [hbm4b:s7+s3], $0x80, v2, vm0, $0xb8;
	[tilespmem:$0x18200] =	vst v63  }
0x52: {  	s0 =	simm.s32 $0xA200  }
0x53: {  	[tilespmem:s0], [sflag:$0x2] =	stream.indirect_vreg.gather [hbm4b:s8+s3], $0x80, v2, vm0, $0xb8;
	[tilespmem:$0x18200] =	vst v63  }
0x54: {  	s0 =	simm.s32 $0xAA00  }
0x55: {  	[tilespmem:s0], [sflag:$0x2] =	stream.indirect_vreg.gather [hbm4b:s9+s3], $0x80, v2, vm0, $0xb8;
	[tilespmem:$0x18200] =	vst v63  }
0x56: {  	s0 =	simm.s32 $0xB200  }
0x57: {  	[tilespmem:s0], [sflag:$0x2] =	stream.indirect_vreg.gather [hbm4b:s10+s3], $0x80, v2, vm0, $0xb8;
	[tilespmem:$0x18200] =	vst v63  }
0x58: {  	s0 =	simm.s32 $0xBA00  }
0x59: {  	[tilespmem:s0], [sflag:$0x2] =	stream.indirect_vreg.gather [hbm4b:s11+s3], $0x80, v2, vm0, $0xb8;
	[tilespmem:$0x18200] =	vst v63  }
0x5a: {  	s0 =	simm.s32 $0xC200  }
0x5b: {  	[tilespmem:s0], [sflag:$0x2] =	stream.indirect_vreg.gather [hbm4b:s12+s3], $0x80, v2, vm0, $0xb8;
	[tilespmem:$0x18200] =	vst v63  }
0x5c: {  	s0 =	simm.s32 $0xCA00  }
0x5d: {  	[tilespmem:s0], [sflag:$0x2] =	stream.indirect_vreg.gather [hbm4b:s13+s3], $0x80, v2, vm0, $0xb8;
	[tilespmem:$0x18200] =	vst v63  }
0x5e: {  	s0 =	simm.s32 $0xD200  }
0x5f: {  	[tilespmem:s0], [sflag:$0x2] =	stream.indirect_vreg.gather [hbm4b:s14+s3], $0x80, v2, vm0, $0xb8;
	[tilespmem:$0x18200] =	vst v63  }
0x60: {  	s0 =	simm.s32 $0xDA00  }
0x61: {  	[tilespmem:s0], [sflag:$0x2] =	stream.indirect_vreg.gather [hbm4b:s15+s3], $0x80, v2, vm0, $0xb8;
	[tilespmem:$0x18200] =	vst v63  }
0x62: {  	s0 =	simm.s32 $0xE200  }
0x63: {  	[tilespmem:s0], [sflag:$0x2] =	stream.indirect_vreg.gather [hbm4b:s16+s3], $0x80, v2, vm0, $0xb8;
	[tilespmem:$0x18200] =	vst v63  }
0x64: {  	s0 =	simm.s32 $0xEA00  }
0x65: {  	[tilespmem:s0], [sflag:$0x2] =	stream.indirect_vreg.gather [hbm4b:s17+s3], $0x80, v2, vm0, $0xb8;
	[tilespmem:$0x18200] =	vst v63  }
0x66: {  	s0 =	simm.s32 $0xF200  }
0x67: {  	[tilespmem:s0], [sflag:$0x2] =	stream.indirect_vreg.gather [hbm4b:s18+s3], $0x80, v2, vm0, $0xb8;
	[tilespmem:$0x18200] =	vst v63  }
0x68: {  	s0 =	simm.s32 $0xFA00  }
0x69: {  	[tilespmem:s0], [sflag:$0x2] =	stream.indirect_vreg.gather [hbm4b:s20+s3], $0x80, v2, vm0, $0xb8;
	[tilespmem:$0x18200] =	vst v63  }
0x6a: {  	_ =	swait.ge [sflag:s21], $0x8000  }
0x6b: {  	[sflag:s21] =	ssyncset.done $0x0  }
0x6c: {  	[sflag:s21] =	ssyncadd.s32 $0xFFFF8000  }
0x6d: {  	v2 =	vld.msk [tilespmem:$0x10], $0xff;
	_ =	sdelay $0x4  }
0x6e: {  	v3 =	vshll.u32 v2, $0x5  }
0x6f: {  	v2 =	vand.u32 $0x7, v2;
	v3 =	vand.u32 $0xFFFFFF00, v3  }
0x70: {  	v2 =	vor.u32 v2, v3  }
0x71: {  	v2 =	vperm.xlane v2, v0;
	_ =	sdelay $0x1  }
0x72: {  	v2 =	vadd.s32 v1, v2;
	_ =	sdelay $0x4  }
0x73: {  	[tilespmem:s26], [sflag:$0x3] =	stream.indirect_vreg.gather [hbm4b:s2+s3], $0x80, v2, vm0, $0xb8;
	[tilespmem:$0x18200] =	vst v63  }
0x74: {  	s26 =	simm.s32 $0x10A00  }
0x75: {  	[tilespmem:s26], [sflag:$0x3] =	stream.indirect_vreg.gather [hbm4b:s5+s3], $0x80, v2, vm0, $0xb8;
	[tilespmem:$0x18200] =	vst v63  }
0x76: {  	s26 =	simm.s32 $0x11200  }
0x77: {  	[tilespmem:s26], [sflag:$0x3] =	stream.indirect_vreg.gather [hbm4b:s6+s3], $0x80, v2, vm0, $0xb8;
	[tilespmem:$0x18200] =	vst v63  }
0x78: {  	s26 =	simm.s32 $0x11A00  }
0x79: {  	[tilespmem:s26], [sflag:$0x3] =	stream.indirect_vreg.gather [hbm4b:s7+s3], $0x80, v2, vm0, $0xb8;
	[tilespmem:$0x18200] =	vst v63  }
0x7a: {  	s26 =	simm.s32 $0x12200  }
0x7b: {  	[tilespmem:s26], [sflag:$0x3] =	stream.indirect_vreg.gather [hbm4b:s8+s3], $0x80, v2, vm0, $0xb8;
	[tilespmem:$0x18200] =	vst v63  }
0x7c: {  	s26 =	simm.s32 $0x12A00  }
0x7d: {  	[tilespmem:s26], [sflag:$0x3] =	stream.indirect_vreg.gather [hbm4b:s9+s3], $0x80, v2, vm0, $0xb8;
	[tilespmem:$0x18200] =	vst v63  }
0x7e: {  	s26 =	simm.s32 $0x13200  }
0x7f: {  	[tilespmem:s26], [sflag:$0x3] =	stream.indirect_vreg.gather [hbm4b:s10+s3], $0x80, v2, vm0, $0xb8;
	[tilespmem:$0x18200] =	vst v63  }
0x80: {  	s26 =	simm.s32 $0x13A00  }
0x81: {  	[tilespmem:s26], [sflag:$0x3] =	stream.indirect_vreg.gather [hbm4b:s11+s3], $0x80, v2, vm0, $0xb8;
	[tilespmem:$0x18200] =	vst v63  }
0x82: {  	s26 =	simm.s32 $0x14200  }
0x83: {  	[tilespmem:s26], [sflag:$0x3] =	stream.indirect_vreg.gather [hbm4b:s12+s3], $0x80, v2, vm0, $0xb8;
	[tilespmem:$0x18200] =	vst v63  }
0x84: {  	s26 =	simm.s32 $0x14A00  }
0x85: {  	[tilespmem:s26], [sflag:$0x3] =	stream.indirect_vreg.gather [hbm4b:s13+s3], $0x80, v2, vm0, $0xb8;
	[tilespmem:$0x18200] =	vst v63  }
0x86: {  	s26 =	simm.s32 $0x15200  }
0x87: {  	[tilespmem:s26], [sflag:$0x3] =	stream.indirect_vreg.gather [hbm4b:s14+s3], $0x80, v2, vm0, $0xb8;
	[tilespmem:$0x18200] =	vst v63  }
0x88: {  	s26 =	simm.s32 $0x15A00  }
0x89: {  	[tilespmem:s26], [sflag:$0x3] =	stream.indirect_vreg.gather [hbm4b:s15+s3], $0x80, v2, vm0, $0xb8;
	[tilespmem:$0x18200] =	vst v63  }
0x8a: {  	s26 =	simm.s32 $0x16200  }
0x8b: {  	[tilespmem:s26], [sflag:$0x3] =	stream.indirect_vreg.gather [hbm4b:s16+s3], $0x80, v2, vm0, $0xb8;
	[tilespmem:$0x18200] =	vst v63  }
0x8c: {  	s26 =	simm.s32 $0x16A00  }
0x8d: {  	[tilespmem:s26], [sflag:$0x3] =	stream.indirect_vreg.gather [hbm4b:s17+s3], $0x80, v2, vm0, $0xb8;
	[tilespmem:$0x18200] =	vst v63  }
0x8e: {  	s26 =	simm.s32 $0x17200  }
0x8f: {  	[tilespmem:s26], [sflag:$0x3] =	stream.indirect_vreg.gather [hbm4b:s18+s3], $0x80, v2, vm0, $0xb8;
	[tilespmem:$0x18200] =	vst v63  }
0x90: {  	s26 =	simm.s32 $0x17A00  }
0x91: {  	[tilespmem:s26], [sflag:$0x3] =	stream.indirect_vreg.gather [hbm4b:s20+s3], $0x80, v2, vm0, $0xb8;
	[tilespmem:$0x18200] =	vst v63  }
0x92: {  	s0 =	rddreg [dreg:$0x6];
	s26 =	simm.s32 $0x200  }
0x93: {  	[hbm4b:s0+s3] =	stream.linear.scatter [tilespmem:s26], [sflag:$0x4], $0x8000, $0x38;
	[tilespmem:$0x18200] =	vst v63  }
0x94: {  	_ =	swait.ge [sflag:s4], $0x8000  }
0x95: {  	[sflag:s4] =	ssyncset.done $0x0  }
0x96: {  	[sflag:s4] =	ssyncadd.s32 $0xFFFF8000  }
0x97: {  	_ =	swait.ge [sflag:s24], $0x8000  }
0x98: {  	[sflag:s24] =	ssyncset.done $0x0  }
0x99: {  	[sflag:s24] =	ssyncadd.s32 $0xFFFF8000  }
0x9a: {  	v2 =	vld.msk [tilespmem:$0x18], $0xff;
	_ =	sdelay $0x4  }
0x9b: {  	v3 =	vshll.u32 v2, $0x5  }
0x9c: {  	v2 =	vand.u32 $0x7, v2;
	v3 =	vand.u32 $0xFFFFFF00, v3  }
0x9d: {  	v2 =	vor.u32 v2, v3  }
0x9e: {  	v2 =	vperm.xlane v2, v0;
	_ =	sdelay $0x1  }
0x9f: {  	v2 =	vadd.s32 v1, v2;
	_ =	sdelay $0x4  }
0xa0: {  	[tilespmem:s26], [sflag:$0x1] =	stream.indirect_vreg.gather [hbm4b:s2+s3], $0x80, v2, vm0, $0xb8;
	[tilespmem:$0x18200] =	vst v63  }
0xa1: {  	_ = 	snop  }
0xa2: {  	[tilespmem:s1], [sflag:$0x1] =	stream.indirect_vreg.gather [hbm4b:s5+s3], $0x80, v2, vm0, $0xb8;
	[tilespmem:$0x18200] =	vst v63  }
0xa3: {  	_ = 	snop  }
0xa4: {  	[tilespmem:s22], [sflag:$0x1] =	stream.indirect_vreg.gather [hbm4b:s6+s3], $0x80, v2, vm0, $0xb8;
	[tilespmem:$0x18200] =	vst v63  }
0xa5: {  	_ = 	snop  }
0xa6: {  	[tilespmem:s28], [sflag:$0x1] =	stream.indirect_vreg.gather [hbm4b:s7+s3], $0x80, v2, vm0, $0xb8;
	[tilespmem:$0x18200] =	vst v63  }
0xa7: {  	_ = 	snop  }
0xa8: {  	[tilespmem:s23], [sflag:$0x1] =	stream.indirect_vreg.gather [hbm4b:s8+s3], $0x80, v2, vm0, $0xb8;
	[tilespmem:$0x18200] =	vst v63  }
0xa9: {  	_ = 	snop  }
0xaa: {  	[tilespmem:s29], [sflag:$0x1] =	stream.indirect_vreg.gather [hbm4b:s9+s3], $0x80, v2, vm0, $0xb8;
	[tilespmem:$0x18200] =	vst v63  }
0xab: {  	_ = 	snop  }
0xac: {  	[tilespmem:s30], [sflag:$0x1] =	stream.indirect_vreg.gather [hbm4b:s10+s3], $0x80, v2, vm0, $0xb8;
	[tilespmem:$0x18200] =	vst v63  }
0xad: {  	s22 =	simm.s32 $0x3A00  }
0xae: {  	[tilespmem:s22], [sflag:$0x1] =	stream.indirect_vreg.gather [hbm4b:s11+s3], $0x80, v2, vm0, $0xb8;
	[tilespmem:$0x18200] =	vst v63  }
0xaf: {  	s23 =	simm.s32 $0x4200  }
0xb0: {  	[tilespmem:s23], [sflag:$0x1] =	stream.indirect_vreg.gather [hbm4b:s12+s3], $0x80, v2, vm0, $0xb8;
	[tilespmem:$0x18200] =	vst v63  }
0xb1: {  	s26 =	simm.s32 $0x4A00  }
0xb2: {  	[tilespmem:s26], [sflag:$0x1] =	stream.indirect_vreg.gather [hbm4b:s13+s3], $0x80, v2, vm0, $0xb8;
	[tilespmem:$0x18200] =	vst v63  }
0xb3: {  	s28 =	simm.s32 $0x5200  }
0xb4: {  	[tilespmem:s28], [sflag:$0x1] =	stream.indirect_vreg.gather [hbm4b:s14+s3], $0x80, v2, vm0, $0xb8;
	[tilespmem:$0x18200] =	vst v63  }
0xb5: {  	s30 =	simm.s32 $0x5A00  }
0xb6: {  	[tilespmem:s30], [sflag:$0x1] =	stream.indirect_vreg.gather [hbm4b:s15+s3], $0x80, v2, vm0, $0xb8;
	[tilespmem:$0x18200] =	vst v63  }
0xb7: {  	s22 =	simm.s32 $0x6200  }
0xb8: {  	[tilespmem:s22], [sflag:$0x1] =	stream.indirect_vreg.gather [hbm4b:s16+s3], $0x80, v2, vm0, $0xb8;
	[tilespmem:$0x18200] =	vst v63  }
0xb9: {  	s23 =	simm.s32 $0x6A00  }
0xba: {  	[tilespmem:s23], [sflag:$0x1] =	stream.indirect_vreg.gather [hbm4b:s17+s3], $0x80, v2, vm0, $0xb8;
	[tilespmem:$0x18200] =	vst v63  }
0xbb: {  	s26 =	simm.s32 $0x7200  }
0xbc: {  	[tilespmem:s26], [sflag:$0x1] =	stream.indirect_vreg.gather [hbm4b:s18+s3], $0x80, v2, vm0, $0xb8;
	[tilespmem:$0x18200] =	vst v63  }
0xbd: {  	s0 =	simm.s32 $0x30;
	s28 =	simm.s32 $0x7A00  }
0xbe: {  	[tilespmem:s28], [sflag:$0x1] =	stream.indirect_vreg.gather [hbm4b:s20+s3], $0x80, v2, vm0, $0xb8;
	[tilespmem:$0x18200] =	vst v63  }
0xbf: {  	s1 =	simm.s32 $0x8200;
	s29 =	simm.s32 $0x0;
	s30 =	rddreg [dreg:$0x7]  }
0xc0: {  	[hbm4b:s30+s3] =	stream.linear.scatter [tilespmem:s1], [sflag:$0x5], $0x8000, $0x38;
	[tilespmem:$0x18200] =	vst v63  }
.LBB2_2:
0xc1: {  	_ =	swait.ge [sflag:s19], $0x8000  }
0xc2: {  	[sflag:s19] =	ssyncset.done $0x0  }
0xc3: {  	[sflag:s19] =	ssyncadd.s32 $0xFFFF8000  }
0xc4: {  	_ =	swait.ge [sflag:s31], $0x8000  }
0xc5: {  	[sflag:s31] =	ssyncset.done $0x0  }
0xc6: {  	[sflag:s31] =	ssyncadd.s32 $0xFFFF8000  }
0xc7: {  	v2 =	vld.msk [tilespmem:s0+$0xFFFFFFF0], $0xff;
	_ =	sdelay $0x4  }
0xc8: {  	v3 =	vshll.u32 v2, $0x5  }
0xc9: {  	v2 =	vand.u32 $0x7, v2;
	v3 =	vand.u32 $0xFFFFFF00, v3  }
0xca: {  	v2 =	vor.u32 v2, v3  }
0xcb: {  	v2 =	vperm.xlane v2, v0;
	_ =	sdelay $0x1  }
0xcc: {  	v2 =	vadd.s32 v1, v2;
	_ =	sdelay $0x4  }
0xcd: {  	[tilespmem:s1], [sflag:$0x2] =	stream.indirect_vreg.gather [hbm4b:s2+s3], $0x80, v2, vm0, $0xb8;
	[tilespmem:$0x18200] =	vst v63  }
0xce: {  	s26 =	simm.s32 $0x8A00  }
0xcf: {  	[tilespmem:s26], [sflag:$0x2] =	stream.indirect_vreg.gather [hbm4b:s5+s3], $0x80, v2, vm0, $0xb8;
	[tilespmem:$0x18200] =	vst v63  }
0xd0: {  	s22 =	simm.s32 $0x9200  }
0xd1: {  	[tilespmem:s22], [sflag:$0x2] =	stream.indirect_vreg.gather [hbm4b:s6+s3], $0x80, v2, vm0, $0xb8;
	[tilespmem:$0x18200] =	vst v63  }
0xd2: {  	s23 =	simm.s32 $0x9A00  }
0xd3: {  	[tilespmem:s23], [sflag:$0x2] =	stream.indirect_vreg.gather [hbm4b:s7+s3], $0x80, v2, vm0, $0xb8;
	[tilespmem:$0x18200] =	vst v63  }
0xd4: {  	s26 =	simm.s32 $0xA200  }
0xd5: {  	[tilespmem:s26], [sflag:$0x2] =	stream.indirect_vreg.gather [hbm4b:s8+s3], $0x80, v2, vm0, $0xb8;
	[tilespmem:$0x18200] =	vst v63  }
0xd6: {  	s22 =	simm.s32 $0xAA00  }
0xd7: {  	[tilespmem:s22], [sflag:$0x2] =	stream.indirect_vreg.gather [hbm4b:s9+s3], $0x80, v2, vm0, $0xb8;
	[tilespmem:$0x18200] =	vst v63  }
0xd8: {  	s23 =	simm.s32 $0xB200  }
0xd9: {  	[tilespmem:s23], [sflag:$0x2] =	stream.indirect_vreg.gather [hbm4b:s10+s3], $0x80, v2, vm0, $0xb8;
	[tilespmem:$0x18200] =	vst v63  }
0xda: {  	s26 =	simm.s32 $0xBA00  }
0xdb: {  	[tilespmem:s26], [sflag:$0x2] =	stream.indirect_vreg.gather [hbm4b:s11+s3], $0x80, v2, vm0, $0xb8;
	[tilespmem:$0x18200] =	vst v63  }
0xdc: {  	s22 =	simm.s32 $0xC200  }
0xdd: {  	[tilespmem:s22], [sflag:$0x2] =	stream.indirect_vreg.gather [hbm4b:s12+s3], $0x80, v2, vm0, $0xb8;
	[tilespmem:$0x18200] =	vst v63  }
0xde: {  	s23 =	simm.s32 $0xCA00  }
0xdf: {  	[tilespmem:s23], [sflag:$0x2] =	stream.indirect_vreg.gather [hbm4b:s13+s3], $0x80, v2, vm0, $0xb8;
	[tilespmem:$0x18200] =	vst v63  }
0xe0: {  	s26 =	simm.s32 $0xD200  }
0xe1: {  	[tilespmem:s26], [sflag:$0x2] =	stream.indirect_vreg.gather [hbm4b:s14+s3], $0x80, v2, vm0, $0xb8;
	[tilespmem:$0x18200] =	vst v63  }
0xe2: {  	s22 =	simm.s32 $0xDA00  }
0xe3: {  	[tilespmem:s22], [sflag:$0x2] =	stream.indirect_vreg.gather [hbm4b:s15+s3], $0x80, v2, vm0, $0xb8;
	[tilespmem:$0x18200] =	vst v63  }
0xe4: {  	s23 =	simm.s32 $0xE200  }
0xe5: {  	[tilespmem:s23], [sflag:$0x2] =	stream.indirect_vreg.gather [hbm4b:s16+s3], $0x80, v2, vm0, $0xb8;
	[tilespmem:$0x18200] =	vst v63  }
0xe6: {  	s26 =	simm.s32 $0xEA00  }
0xe7: {  	[tilespmem:s26], [sflag:$0x2] =	stream.indirect_vreg.gather [hbm4b:s17+s3], $0x80, v2, vm0, $0xb8;
	[tilespmem:$0x18200] =	vst v63  }
0xe8: {  	s22 =	simm.s32 $0xF200  }
0xe9: {  	[tilespmem:s22], [sflag:$0x2] =	stream.indirect_vreg.gather [hbm4b:s18+s3], $0x80, v2, vm0, $0xb8;
	[tilespmem:$0x18200] =	vst v63  }
0xea: {  	s22 =	rddreg [dreg:$0x4]  }
0xeb: {  	s23 =	simm.s32 $0xFA00;
	s22 =	sadd.s32 s29, s22  }
0xec: {  	[tilespmem:s23], [sflag:$0x2] =	stream.indirect_vreg.gather [hbm4b:s20+s3], $0x80, v2, vm0, $0xb8;
	[tilespmem:$0x18200] =	vst v63  }
0xed: {  	s28 =	simm.s32 $0x10200;
	s26 =	sadd.s32 $0x2000, s22  }
0xee: {  	[hbm4b:s26+s3] =	stream.linear.scatter [tilespmem:s28], [sflag:$0x6], $0x8000, $0x38;
	[tilespmem:$0x18200] =	vst v63  }
0xef: {  	_ =	swait.ge [sflag:s21], $0x8000  }
0xf0: {  	[sflag:s21] =	ssyncset.done $0x0  }
0xf1: {  	[sflag:s21] =	ssyncadd.s32 $0xFFFF8000  }
0xf2: {  	_ =	swait.ge [sflag:s25], $0x8000  }
0xf3: {  	[sflag:s25] =	ssyncset.done $0x0  }
0xf4: {  	[sflag:s25] =	ssyncadd.s32 $0xFFFF8000  }
0xf5: {  	v2 =	vld.msk [tilespmem:s0+$0xFFFFFFF8], $0xff;
	_ =	sdelay $0x4  }
0xf6: {  	v3 =	vshll.u32 v2, $0x5  }
0xf7: {  	v2 =	vand.u32 $0x7, v2;
	v3 =	vand.u32 $0xFFFFFF00, v3  }
0xf8: {  	v2 =	vor.u32 v2, v3  }
0xf9: {  	v2 =	vperm.xlane v2, v0;
	_ =	sdelay $0x1  }
0xfa: {  	v2 =	vadd.s32 v1, v2;
	_ =	sdelay $0x4  }
0xfb: {  	[tilespmem:s28], [sflag:$0x3] =	stream.indirect_vreg.gather [hbm4b:s2+s3], $0x80, v2, vm0, $0xb8;
	[tilespmem:$0x18200] =	vst v63  }
0xfc: {  	s1 =	simm.s32 $0x10A00  }
0xfd: {  	[tilespmem:s1], [sflag:$0x3] =	stream.indirect_vreg.gather [hbm4b:s5+s3], $0x80, v2, vm0, $0xb8;
	[tilespmem:$0x18200] =	vst v63  }
0xfe: {  	s1 =	simm.s32 $0x11200  }
0xff: {  	[tilespmem:s1], [sflag:$0x3] =	stream.indirect_vreg.gather [hbm4b:s6+s3], $0x80, v2, vm0, $0xb8;
	[tilespmem:$0x18200] =	vst v63  }
0x100: {  	s1 =	simm.s32 $0x11A00  }
0x101: {  	[tilespmem:s1], [sflag:$0x3] =	stream.indirect_vreg.gather [hbm4b:s7+s3], $0x80, v2, vm0, $0xb8;
	[tilespmem:$0x18200] =	vst v63  }
0x102: {  	s1 =	simm.s32 $0x12200  }
0x103: {  	[tilespmem:s1], [sflag:$0x3] =	stream.indirect_vreg.gather [hbm4b:s8+s3], $0x80, v2, vm0, $0xb8;
	[tilespmem:$0x18200] =	vst v63  }
0x104: {  	s1 =	simm.s32 $0x12A00  }
0x105: {  	[tilespmem:s1], [sflag:$0x3] =	stream.indirect_vreg.gather [hbm4b:s9+s3], $0x80, v2, vm0, $0xb8;
	[tilespmem:$0x18200] =	vst v63  }
0x106: {  	s1 =	simm.s32 $0x13200  }
0x107: {  	[tilespmem:s1], [sflag:$0x3] =	stream.indirect_vreg.gather [hbm4b:s10+s3], $0x80, v2, vm0, $0xb8;
	[tilespmem:$0x18200] =	vst v63  }
0x108: {  	s1 =	simm.s32 $0x13A00  }
0x109: {  	[tilespmem:s1], [sflag:$0x3] =	stream.indirect_vreg.gather [hbm4b:s11+s3], $0x80, v2, vm0, $0xb8;
	[tilespmem:$0x18200] =	vst v63  }
0x10a: {  	s1 =	simm.s32 $0x14200  }
0x10b: {  	[tilespmem:s1], [sflag:$0x3] =	stream.indirect_vreg.gather [hbm4b:s12+s3], $0x80, v2, vm0, $0xb8;
	[tilespmem:$0x18200] =	vst v63  }
0x10c: {  	s1 =	simm.s32 $0x14A00  }
0x10d: {  	[tilespmem:s1], [sflag:$0x3] =	stream.indirect_vreg.gather [hbm4b:s13+s3], $0x80, v2, vm0, $0xb8;
	[tilespmem:$0x18200] =	vst v63  }
0x10e: {  	s1 =	simm.s32 $0x15200  }
0x10f: {  	[tilespmem:s1], [sflag:$0x3] =	stream.indirect_vreg.gather [hbm4b:s14+s3], $0x80, v2, vm0, $0xb8;
	[tilespmem:$0x18200] =	vst v63  }
0x110: {  	s1 =	simm.s32 $0x15A00  }
0x111: {  	[tilespmem:s1], [sflag:$0x3] =	stream.indirect_vreg.gather [hbm4b:s15+s3], $0x80, v2, vm0, $0xb8;
	[tilespmem:$0x18200] =	vst v63  }
0x112: {  	s1 =	simm.s32 $0x16200  }
0x113: {  	[tilespmem:s1], [sflag:$0x3] =	stream.indirect_vreg.gather [hbm4b:s16+s3], $0x80, v2, vm0, $0xb8;
	[tilespmem:$0x18200] =	vst v63  }
0x114: {  	s1 =	simm.s32 $0x16A00  }
0x115: {  	[tilespmem:s1], [sflag:$0x3] =	stream.indirect_vreg.gather [hbm4b:s17+s3], $0x80, v2, vm0, $0xb8;
	[tilespmem:$0x18200] =	vst v63  }
0x116: {  	s1 =	simm.s32 $0x17200  }
0x117: {  	[tilespmem:s1], [sflag:$0x3] =	stream.indirect_vreg.gather [hbm4b:s18+s3], $0x80, v2, vm0, $0xb8;
	[tilespmem:$0x18200] =	vst v63  }
0x118: {  	s1 =	simm.s32 $0x17A00  }
0x119: {  	[tilespmem:s1], [sflag:$0x3] =	stream.indirect_vreg.gather [hbm4b:s20+s3], $0x80, v2, vm0, $0xb8;
	[tilespmem:$0x18200] =	vst v63  }
0x11a: {  	s28 =	simm.s32 $0x200;
	s1 =	sadd.s32 $0x3000, s22  }
0x11b: {  	[hbm4b:s1+s3] =	stream.linear.scatter [tilespmem:s28], [sflag:$0x4], $0x8000, $0x38;
	[tilespmem:$0x18200] =	vst v63  }
0x11c: {  	_ =	swait.ge [sflag:s4], $0x8000  }
0x11d: {  	[sflag:s4] =	ssyncset.done $0x0  }
0x11e: {  	[sflag:s4] =	ssyncadd.s32 $0xFFFF8000  }
0x11f: {  	_ =	swait.ge [sflag:s24], $0x8000  }
0x120: {  	[sflag:s24] =	ssyncset.done $0x0  }
0x121: {  	[sflag:s24] =	ssyncadd.s32 $0xFFFF8000  }
0x122: {  	v2 =	vld.msk [tilespmem:s0+$0x0], $0xff;
	_ =	sdelay $0x4  }
0x123: {  	v3 =	vshll.u32 v2, $0x5  }
0x124: {  	v2 =	vand.u32 $0x7, v2;
	v3 =	vand.u32 $0xFFFFFF00, v3  }
0x125: {  	v2 =	vor.u32 v2, v3  }
0x126: {  	v2 =	vperm.xlane v2, v0;
	_ =	sdelay $0x1  }
0x127: {  	v2 =	vadd.s32 v1, v2;
	_ =	sdelay $0x4  }
0x128: {  	[tilespmem:s28], [sflag:$0x1] =	stream.indirect_vreg.gather [hbm4b:s2+s3], $0x80, v2, vm0, $0xb8;
	[tilespmem:$0x18200] =	vst v63  }
0x129: {  	s1 =	simm.s32 $0xA00  }
0x12a: {  	[tilespmem:s1], [sflag:$0x1] =	stream.indirect_vreg.gather [hbm4b:s5+s3], $0x80, v2, vm0, $0xb8;
	[tilespmem:$0x18200] =	vst v63  }
0x12b: {  	s1 =	simm.s32 $0x1200  }
0x12c: {  	[tilespmem:s1], [sflag:$0x1] =	stream.indirect_vreg.gather [hbm4b:s6+s3], $0x80, v2, vm0, $0xb8;
	[tilespmem:$0x18200] =	vst v63  }
0x12d: {  	s28 =	simm.s32 $0x1A00  }
0x12e: {  	[tilespmem:s28], [sflag:$0x1] =	stream.indirect_vreg.gather [hbm4b:s7+s3], $0x80, v2, vm0, $0xb8;
	[tilespmem:$0x18200] =	vst v63  }
0x12f: {  	s1 =	simm.s32 $0x2200  }
0x130: {  	[tilespmem:s1], [sflag:$0x1] =	stream.indirect_vreg.gather [hbm4b:s8+s3], $0x80, v2, vm0, $0xb8;
	[tilespmem:$0x18200] =	vst v63  }
0x131: {  	s1 =	simm.s32 $0x2A00  }
0x132: {  	[tilespmem:s1], [sflag:$0x1] =	stream.indirect_vreg.gather [hbm4b:s9+s3], $0x80, v2, vm0, $0xb8;
	[tilespmem:$0x18200] =	vst v63  }
0x133: {  	s1 =	simm.s32 $0x3200  }
0x134: {  	[tilespmem:s1], [sflag:$0x1] =	stream.indirect_vreg.gather [hbm4b:s10+s3], $0x80, v2, vm0, $0xb8;
	[tilespmem:$0x18200] =	vst v63  }
0x135: {  	s1 =	simm.s32 $0x3A00  }
0x136: {  	[tilespmem:s1], [sflag:$0x1] =	stream.indirect_vreg.gather [hbm4b:s11+s3], $0x80, v2, vm0, $0xb8;
	[tilespmem:$0x18200] =	vst v63  }
0x137: {  	s1 =	simm.s32 $0x4200  }
0x138: {  	[tilespmem:s1], [sflag:$0x1] =	stream.indirect_vreg.gather [hbm4b:s12+s3], $0x80, v2, vm0, $0xb8;
	[tilespmem:$0x18200] =	vst v63  }
0x139: {  	s1 =	simm.s32 $0x4A00  }
0x13a: {  	[tilespmem:s1], [sflag:$0x1] =	stream.indirect_vreg.gather [hbm4b:s13+s3], $0x80, v2, vm0, $0xb8;
	[tilespmem:$0x18200] =	vst v63  }
0x13b: {  	s1 =	simm.s32 $0x5200  }
0x13c: {  	[tilespmem:s1], [sflag:$0x1] =	stream.indirect_vreg.gather [hbm4b:s14+s3], $0x80, v2, vm0, $0xb8;
	[tilespmem:$0x18200] =	vst v63  }
0x13d: {  	s1 =	simm.s32 $0x5A00  }
0x13e: {  	[tilespmem:s1], [sflag:$0x1] =	stream.indirect_vreg.gather [hbm4b:s15+s3], $0x80, v2, vm0, $0xb8;
	[tilespmem:$0x18200] =	vst v63  }
0x13f: {  	s1 =	simm.s32 $0x6200  }
0x140: {  	[tilespmem:s1], [sflag:$0x1] =	stream.indirect_vreg.gather [hbm4b:s16+s3], $0x80, v2, vm0, $0xb8;
	[tilespmem:$0x18200] =	vst v63  }
0x141: {  	s1 =	simm.s32 $0x6A00  }
0x142: {  	[tilespmem:s1], [sflag:$0x1] =	stream.indirect_vreg.gather [hbm4b:s17+s3], $0x80, v2, vm0, $0xb8;
	[tilespmem:$0x18200] =	vst v63  }
0x143: {  	p0 =	sne.s32 s29, $0x39000;
	s1 =	simm.s32 $0x7200  }
0x144: {  	[tilespmem:s1], [sflag:$0x1] =	stream.indirect_vreg.gather [hbm4b:s18+s3], $0x80, v2, vm0, $0xb8;
	[tilespmem:$0x18200] =	vst v63  }
.Ltmp0:
0x145: {  	s30 =	simm.s32 $0x200;
	s29 =	sadd.s32 $0x3000, s29;
	(pc) =	sbr.rel @p0 .LBB2_2-.Ltmp0, $4  }
0x146: {  	s23 =	simm.s32 $0x8200;
	s26 =	simm.s32 $0x10200;
	s1 =	simm.s32 $0x7A00  }
0x147: {  	[tilespmem:s1], [sflag:$0x1] =	stream.indirect_vreg.gather [hbm4b:s20+s3], $0x80, v2, vm0, $0xb8;
	[tilespmem:$0x18200] =	vst v63  }
0x148: {  	s22 =	sadd.s32 $0x4000, s22;
	s0 =	sadd.s32 $0x18, s0;
	s1 =	simm.s32 $0x8200  }
0x149: {  	[hbm4b:s22+s3] =	stream.linear.scatter [tilespmem:s23], [sflag:$0x5], $0x8000, $0x38;
	[tilespmem:$0x18200] =	vst v63  }
0x14a: {  	_ =	swait.ge [sflag:s19], $0x8000  }
0x14b: {  	[sflag:s19] =	ssyncset.done $0x0  }
0x14c: {  	[sflag:s19] =	ssyncadd.s32 $0xFFFF8000  }
0x14d: {  	_ =	swait.ge [sflag:s31], $0x8000  }
0x14e: {  	[sflag:s31] =	ssyncset.done $0x0  }
0x14f: {  	s0 =	rddreg [dreg:$0x8];
	[sflag:s31] =	ssyncadd.s32 $0xFFFF8000  }
0x150: {  	[hbm4b:s0+s3] =	stream.linear.scatter [tilespmem:s26], [sflag:$0x6], $0x8000, $0x38;
	[tilespmem:$0x18200] =	vst v63  }
0x151: {  	_ =	swait.ge [sflag:s21], $0x8000  }
0x152: {  	[sflag:s21] =	ssyncset.done $0x0  }
0x153: {  	s22 =	rddreg [dreg:$0x9];
	[sflag:s21] =	ssyncadd.s32 $0xFFFF8000  }
0x154: {  	[hbm4b:s22+s3] =	stream.linear.scatter [tilespmem:s30], [sflag:$0x4], $0x8000, $0x38;
	[tilespmem:$0x18200] =	vst v63  }
0x155: {  	_ =	swait.ge [sflag:s25], $0x8000  }
0x156: {  	[sflag:s25] =	ssyncset.done $0x0  }
0x157: {  	[sflag:s25] =	ssyncadd.s32 $0xFFFF8000  }
0x158: {  	_ =	swait.ge [sflag:s24], $0x8000  }
0x159: {  	s1 =	rddreg [dreg:$0xb]  }
0x15a: {  	s23 =	rddreg [dreg:$0xa];
	s1 =	sadd.s32 $0x1, s1  }
0x15b: {  	p0 =	sne.s32 s1, s23  }
.Ltmp1:
0x15c: {  	_ = 	snop;
	(pc) =	sbr.rel @p0 .LBB2_1-.Ltmp1, $4  }
0x15d: {  	_ = 	snop  }
0x15e: {  	s29 =	simm.s32 $0x2A00;
	[sflag:s24] =	ssyncset.done $0x0  }
0x15f: {  	s22 =	simm.s32 $0x1200;
	s30 =	simm.s32 $0x3200;
	[sflag:s24] =	ssyncadd.s32 $0xFFFF8000  }
0x160: {  	[dreg:$0xb] =	wrdreg s1;
	s1 =	simm.s32 $0xA00;
	s23 =	simm.s32 $0x2200  }
0x161: {  	_ =	sfence.sel $0x180000  }
0x162: {  	[bflag:$0x0] =	sbarrier.arrive $0xFFFF  }
0x163: {  	_ =	strace $0x90000047  }
0x164: {  	s0 =	stileid.u32;
	[bflag:$0x2] =	sbarrier.arrive $0xFFFF  }
0x165: {  	p0 =	sne.s32 s0, $0x0;
	s0 =	rddreg [dreg:$0x3]  }
0x166: {  	s0 =	sadd.s32 @!p0 $0x100000, s0  }
0x167: {  	[sflag:s0] =	ssyncadd.tile.s32 @!p0 $0x1;
	_ =	shalt  }
.Lfunc_end2:
_tile_overlayer_lowered:
.L_overlay_start_2:
0x168: {  	(tag) =	ssettag $0x2  }
0x169: {  	s0 =	rddreg [dreg:$0x0];
	s2 =	stileid.u32  }
0x16a: {  	s1 =	rddreg [dreg:$0x1];
	p0 =	sne.s32 s2, $0x0  }
0x16b: {  	s3 =	rddreg [dreg:$0x2];
	[bflag:$0x3] =	sbarrier.arrive $0xFFFF;
	s2 =	simm.s32 @!p0 $0x1C07  }
0x16c: {  	[timem:s3], [sflag:s2] =	dma.local @!p0 [hbm:s0], s1  }
0x16d: {  	s0 =	simm.s32 @!p0 $0x7  }
0x16e: {  	_ =	swait.ge @!p0 [sflag:s0], s1  }
0x16f: {  	s1 =	ssub.s32 @!p0 $0x0, s1;
	[sflag:s0] =	ssyncset.done @!p0 $0x0  }
0x170: {  	[sflag:s0] =	ssyncadd.s32 @!p0 s1  }
0x171: {  	[bflag:$0x3] =	sbarrier.arrive $0xFFFF  }
0x172: {  	_ =	shalt  }

</sc_bundles>
